<compile_context>
chip_gen: v7x
topology: tpu7x:2x2x1
jax: 0.10.2.dev20260603
libtpu: 0.0.44.dev20260713+nightly
codegen_flags: <defaults>
</compile_context>

<pallas_src>
import functools

import jax
import jax.numpy as jnp
from jax import lax
from jax.experimental import pallas as pl
from jax.experimental.pallas import tpu as pltpu
from jax.experimental.pallas import tpu_sc as plsc

BF = jnp.bfloat16


def _make_count_kernel(N, E):
    info = plsc.get_sparse_core_info()
    NC, NS = info.num_cores, info.num_subcores
    NW = NC * NS
    ROWS = N // NW
    COLH = N // 2
    CH = 16384
    L = 16
    NCH = E // CH

    mesh = plsc.VectorSubcoreMesh(core_axis_name="c", subcore_axis_name="s")

    @functools.partial(
        pl.kernel,
        out_type=jax.ShapeDtypeStruct((N, COLH), jnp.int32),
        mesh=mesh,
        compiler_params=pltpu.CompilerParams(use_tc_tiling_on_sc=True,
                                             needs_layout_passes=False),
        scratch_types=[
            pltpu.VMEM((ROWS, COLH), jnp.int32),
            pltpu.VMEM((2, CH), jnp.int32),
            pltpu.SemaphoreType.DMA,
            pltpu.SemaphoreType.DMA,
            pltpu.SemaphoreType.DMA,
        ],
    )
    def count_kernel(rc_hbm, zero_hbm, p_hbm, cbuf, stage, zsem, es0, es1):
        wid = lax.axis_index("s") * NC + lax.axis_index("c")
        rbase = wid * ROWS
        zcp = pltpu.async_copy(zero_hbm, cbuf, zsem)
        esem = [es0, es1]
        cps = [None, None]

        def start(ch):
            s = ch % 2
            cps[s] = pltpu.async_copy(rc_hbm.at[pl.ds(ch * CH, CH)],
                                      stage.at[s], esem[s])

        start(0)
        zcp.wait()
        for ch in range(NCH):
            s = ch % 2
            if ch + 1 < NCH:
                start(ch + 1)
            cps[s].wait()

            def ebody(j, carry):
                rc = stage[s, pl.ds(j * L, L)]
                r = lax.shift_right_logical(rc, 11)
                c = rc & (N - 1)
                lr = r - rbase
                mask = (lr >= 0) & (lr < ROWS) & (r != c)
                lc = c & (COLH - 1)
                val = jnp.where(c >= COLH, 65536, 1).astype(jnp.int32)
                plsc.addupdate_scatter(cbuf, [lr, lc], val, mask=mask)
                return carry

            lax.fori_loop(0, CH // L, ebody, 0, unroll=8)

        pltpu.sync_copy(cbuf, p_hbm.at[pl.ds(rbase, ROWS), :])

    return count_kernel


def _make_t0_kernel(B, N, F):
    BN = 128
    NI = N // BN

    def body(sa_ref, x_ref, t0_ref):
        rr = lax.broadcasted_iota(jnp.int32, (BN, BN), 0)
        cc = lax.broadcasted_iota(jnp.int32, (BN, BN), 1)
        eye = rr == cc
        for b in range(B):
            diag = jnp.sum(jnp.where(eye, sa_ref[b], 0.0), axis=1,
                           keepdims=True)
            t0_ref[b] = (diag * x_ref[b]).astype(BF)

    return pl.pallas_call(
        body,
        grid=(NI,),
        in_specs=[
            pl.BlockSpec((B, BN, BN), lambda i: (0, i, i)),
            pl.BlockSpec((B, BN, F), lambda i: (0, i, 0)),
        ],
        out_specs=[pl.BlockSpec((B, BN, F), lambda i: (0, i, 0))],
        out_shape=[jax.ShapeDtypeStruct((B, N, F), BF)],
    )


def _make_scales_kernel(N):
    BN = 1024
    NI = N // BN

    def body(p_ref, scl_ref):
        p = p_ref[...]
        lo = jnp.bitwise_and(p, 0xFFFF).astype(jnp.float32)
        hi = lax.shift_right_logical(p, 16).astype(jnp.float32)
        deg = (jnp.sum(lo, axis=1, keepdims=True)
               + jnp.sum(hi, axis=1, keepdims=True))
        dis = jnp.where(deg > 0.0, lax.rsqrt(jnp.maximum(deg, 1e-30)), 0.0)
        inv_cnt = 1.0 / (deg + 2.0)
        a1 = -dis * inv_cnt
        scl_ref[0] = jnp.broadcast_to(a1, (BN, 128))
        scl_ref[1] = jnp.broadcast_to(a1 * dis, (BN, 128))
        scl_ref[2] = jnp.broadcast_to(2.0 * a1, (BN, 128))
        scl_ref[3] = jnp.broadcast_to(dis, (BN, 128))

    return pl.pallas_call(
        body,
        grid=(NI,),
        in_specs=[pl.BlockSpec((BN, N // 2), lambda i: (i, 0))],
        out_specs=[pl.BlockSpec((4, BN, 128), lambda i: (0, i, 0))],
        out_shape=[jax.ShapeDtypeStruct((4, N, 128), jnp.float32)],
    )


def _make_prop1_kernel(B, N, F, BN=512, BK=512):
    NI, NH = N // BN, N // BK // 2

    def body(sa1_ref, sa2_ref, p_ref, t0_ref, dis1_ref, dis2_ref,
             a1_ref, a1d_ref, t1_ref, t1s_ref, acc):
        k = pl.program_id(1)

        @pl.when(k == 0)
        def _():
            acc[...] = jnp.zeros_like(acc)

        p = p_ref[...]
        lo = jnp.bitwise_and(p, 0xFFFF).astype(jnp.float32)
        hi = lax.shift_right_logical(p, 16).astype(jnp.float32)
        d1 = dis1_ref[0]
        d2 = dis2_ref[0]
        for b in range(B):
            m1 = (sa1_ref[b] * lo).astype(BF)
            m2 = (sa2_ref[b] * hi).astype(BF)
            t0s1 = (t0_ref[b, pl.ds(k * BK, BK), :] * d1).astype(BF)
            t0s2 = (t0_ref[b, pl.ds((NH + k) * BK, BK), :] * d2).astype(BF)
            acc[b] += (jnp.dot(m1, t0s1, preferred_element_type=jnp.float32)
                       + jnp.dot(m2, t0s2,
                                 preferred_element_type=jnp.float32))

        @pl.when(k == NH - 1)
        def _():
            a1 = a1_ref[0]
            a1d = a1d_ref[0]
            cols = []
            for b in range(B):
                s = acc[b]
                t1_ref[b] = (s * a1).astype(BF)
                cols.append((s * a1d).astype(BF))
            t1s_ref[...] = jnp.concatenate(cols, axis=1)

    return pl.pallas_call(
        body,
        grid=(NI, NH),
        in_specs=[
            pl.BlockSpec((B, BN, BK), lambda i, k: (0, i, k)),
            pl.BlockSpec((B, BN, BK), lambda i, k: (0, i, k + N // BK // 2)),
            pl.BlockSpec((BN, BK), lambda i, k: (i, k)),
            pl.BlockSpec((B, N, F), lambda i, k: (0, 0, 0)),
            pl.BlockSpec((1, BK, 128), lambda i, k: (3, k, 0)),
            pl.BlockSpec((1, BK, 128),
                         lambda i, k: (3, k + N // BK // 2, 0)),
            pl.BlockSpec((1, BN, 128), lambda i, k: (0, i, 0)),
            pl.BlockSpec((1, BN, 128), lambda i, k: (1, i, 0)),
        ],
        out_specs=[
            pl.BlockSpec((B, BN, F), lambda i, k: (0, i, 0)),
            pl.BlockSpec((BN, B * F), lambda i, k: (i, 0)),
        ],
        out_shape=[
            jax.ShapeDtypeStruct((B, N, F), BF),
            jax.ShapeDtypeStruct((N, B * F), BF),
        ],
        scratch_shapes=[pltpu.VMEM((B, BN, F), jnp.float32)],
    )


def _make_prop2_kernel(B, N, F, BN=1024, BK=512):
    NI, NH = N // BN, N // BK // 2

    def body(p_ref, t1s_ref, t0_ref, t1_ref, b_ref, w_ref, bias_ref,
             out_ref, acc):
        k = pl.program_id(1)

        @pl.when(k == 0)
        def _():
            acc[...] = jnp.zeros_like(acc)

        p = p_ref[...]
        lo = jnp.bitwise_and(p, 0xFFFF).astype(jnp.float32).astype(BF)
        hi = (lax.shift_right_logical(p, 16)
              .astype(jnp.float32).astype(BF))
        acc[...] += (jnp.dot(lo, t1s_ref[pl.ds(k * BK, BK), :],
                             preferred_element_type=jnp.float32)
                     + jnp.dot(hi, t1s_ref[pl.ds((NH + k) * BK, BK), :],
                               preferred_element_type=jnp.float32))

        @pl.when(k == NH - 1)
        def _():
            beta = b_ref[0]
            wbf = w_ref[...].astype(BF)
            bias = bias_ref[...]
            for b in range(B):
                t0 = t0_ref[b]
                t2 = acc[:, b * F:(b + 1) * F] * beta - t0.astype(jnp.float32)
                o = jnp.dot(t0, wbf[0], preferred_element_type=jnp.float32)
                o += jnp.dot(t1_ref[b], wbf[1],
                             preferred_element_type=jnp.float32)
                o += jnp.dot(t2.astype(BF), wbf[2],
                             preferred_element_type=jnp.float32)
                out_ref[b] = o + bias

    return pl.pallas_call(
        body,
        grid=(NI, NH),
        in_specs=[
            pl.BlockSpec((BN, BK), lambda i, k: (i, k)),
            pl.BlockSpec((N, B * F), lambda i, k: (0, 0)),
            pl.BlockSpec((B, BN, F), lambda i, k: (0, i, 0)),
            pl.BlockSpec((B, BN, F), lambda i, k: (0, i, 0)),
            pl.BlockSpec((1, BN, 128), lambda i, k: (2, i, 0)),
            pl.BlockSpec((3, F, F), lambda i, k: (0, 0, 0)),
            pl.BlockSpec((1, F), lambda i, k: (0, 0)),
        ],
        out_specs=[pl.BlockSpec((B, BN, F), lambda i, k: (0, i, 0))],
        out_shape=[jax.ShapeDtypeStruct((B, N, F), jnp.float32)],
        scratch_shapes=[pltpu.VMEM((BN, B * F), jnp.float32)],
    )


def kernel(x, edge_index, spatial_attention, weight, bias):
    B, N, F_in = x.shape
    E = edge_index.shape[1]
    F_out = weight.shape[2]
    assert weight.shape[0] == 3 and F_in == F_out

    info = plsc.get_sparse_core_info()
    zrows = N // (info.num_cores * info.num_subcores)
    zeros = jnp.zeros((zrows, N // 2), jnp.int32)
    rc = edge_index[0] * N + edge_index[1]
    packed = _make_count_kernel(N, E)(rc, zeros)
    (t0,) = _make_t0_kernel(B, N, F_in)(spatial_attention, x)
    (scl,) = _make_scales_kernel(N)(packed)
    t1, t1s = _make_prop1_kernel(B, N, F_in)(
        spatial_attention, spatial_attention, packed, t0, scl, scl, scl, scl)
    (out,) = _make_prop2_kernel(B, N, F_in)(
        packed, t1s, t0, t1, scl, weight, bias.reshape(1, F_out))
    return out

# --- scband reference (transcript-rebuilt; emitter-appended) ---
"""Pipeline reference for scband-stattention-8306466750999 (READ-ONLY COPY).

The authoritative reference and input builder live on the scoring server;
editing this copy changes nothing except your own understanding.
"""

import jax, jax.numpy as jnp
import numpy as np

B, N, E, F_IN, F_OUT, K = 4, 2048, 32768, 128, 128, 3


def setup_inputs(seed: int = 0) -> dict:
    key = jax.random.key(seed)
    k1, k2, k3, k4, k5, k6 = jax.random.split(key, 6)
    x = jax.random.normal(k1, (B, N, F_IN), dtype=jnp.float32)
    row = jax.random.randint(k2, (E,), 0, N, dtype=jnp.int32)
    col = jax.random.randint(k3, (E,), 0, N, dtype=jnp.int32)
    edge_index = jnp.stack([row, col])
    spatial_attention = jax.random.uniform(k4, (B, N, N), dtype=jnp.float32)
    # xavier_uniform_ on (K, F_IN, F_OUT): fan_in = F_IN*F_OUT? torch uses dims[1]* recp; use standard bound
    fan_in, fan_out = F_IN, F_OUT
    limit = float(np.sqrt(6.0 / (fan_in + fan_out)))
    weight = jax.random.uniform(k5, (K, F_IN, F_OUT), minval=-limit, maxval=limit, dtype=jnp.float32)
    bias = jax.random.uniform(k6, (F_OUT,), dtype=jnp.float32)
    return {"x": x, "edge_index": edge_index, "spatial_attention": spatial_attention,
            "weight": weight, "bias": bias}


def _cheb_norm(edge_index, num_nodes):
    # remove self loops
    row, col = edge_index[0], edge_index[1]
    mask = row != col
    w = jnp.where(mask, 1.0, 0.0).astype(jnp.float32)
    # sym-normalized laplacian: L = I - D^{-1/2} A D^{-1/2}
    deg = jnp.zeros(num_nodes, dtype=jnp.float32).at[row].add(w)
    dis = jnp.where(deg > 0, 1.0 / jnp.sqrt(jnp.where(deg > 0, deg, 1.0)), 0.0)
    lap_w = -dis[row] * w * dis[col]
    ar = jnp.arange(num_nodes, dtype=row.dtype)
    row = jnp.concatenate([row, ar])
    col = jnp.concatenate([col, ar])
    ew = jnp.concatenate([lap_w, jnp.ones(num_nodes, dtype=jnp.float32)])
    # scale by 2/lambda_max with lambda_max = 2.0
    lambda_max = 2.0
    ew = 2.0 * ew / lambda_max
    ew = jnp.where(jnp.isinf(ew), 0.0, ew)
    # add_self_loops with fill_value = -1.0
    row = jnp.concatenate([row, ar])
    col = jnp.concatenate([col, ar])
    ew = jnp.concatenate([ew, -jnp.ones(num_nodes, dtype=jnp.float32)])
    valid = jnp.concatenate([w, jnp.ones(num_nodes, dtype=jnp.float32),
                             jnp.ones(num_nodes, dtype=jnp.float32)])
    return jnp.stack([row, col]), ew, valid


def _propagate_mean(edge_index_t, feat, norm, num_nodes, valid):
    src, dst = edge_index_t[0], edge_index_t[1]
    x_j = feat[:, src, :]  # gather along node dim
    if norm.ndim == 1:
        msg = norm[None, :, None] * x_j
    else:
        msg = norm[:, :, None] * x_j
    summed = jnp.zeros((feat.shape[0], num_nodes, feat.shape[2]), dtype=feat.dtype).at[:, dst, :].add(msg)
    cnt = jnp.zeros((num_nodes,), dtype=feat.dtype).at[dst].add(valid)
    return summed / jnp.clip(cnt, 1.0)[None, :, None]


def reference(x, edge_index, spatial_attention, weight, bias):
    num_nodes = x.shape[1]
    ei, norm, valid = _cheb_norm(edge_index, num_nodes)
    row, col = ei[0], ei[1]
    att_norm = norm[None, :] * spatial_attention[:, row, col]
    eye = jnp.eye(num_nodes, dtype=x.dtype)
    TAx_0 = jnp.matmul(jnp.transpose(eye[None, :, :] * spatial_attention, (0, 2, 1)), x)
    out = jnp.matmul(TAx_0, weight[0])
    ei_t = jnp.stack([ei[1], ei[0]])
    TAx_1 = TAx_0
    if weight.shape[0] > 1:
        TAx_1 = _propagate_mean(ei_t, TAx_0, att_norm, num_nodes, valid)
        out = out + jnp.matmul(TAx_1, weight[1])
    for k in range(2, weight.shape[0]):
        TAx_2 = _propagate_mean(ei_t, TAx_1, norm, num_nodes, valid)
        TAx_2 = 2.0 * TAx_2 - TAx_0
        out = out + jnp.matmul(TAx_2, weight[k])
        TAx_0, TAx_1 = TAx_1, TAx_2
    out = out + bias
    return out

if __name__ == "__main__":
    import jax
    _d = setup_inputs()
    print(jax.jit(kernel)(*tuple(_d.values())))

</pallas_src>

<mosaic_0001>
#map = affine_map<(d0, d1) -> (0)>
#map1 = affine_map<(d0, d1) -> (0, 0)>
module attributes {stable_mosaic.version = 14 : i64} {
  func.func @count_kernel(%arg0: i32, %arg1: i32, %arg2: memref<32768xi32, #tpu.memory_space<hbm>>, %arg3: memref<64x1024xi32, #tpu.memory_space<hbm>>, %arg4: memref<2048x1024xi32, #tpu.memory_space<hbm>>, %arg5: memref<64x1024xi32, #tpu.memory_space<vmem>>, %arg6: memref<2x16384xi32, #tpu.memory_space<vmem>>, %arg7: memref<!tpu.dma_semaphore, #tpu.memory_space<semaphore_mem>>, %arg8: memref<!tpu.dma_semaphore, #tpu.memory_space<semaphore_mem>>, %arg9: memref<!tpu.dma_semaphore, #tpu.memory_space<semaphore_mem>>) attributes {dimension_semantics = [#tpu.dimension_semantics<core_parallel>, #tpu.dimension_semantics<subcore_parallel>], iteration_bounds = array<i64: 2, 16>, scalar_prefetch = 0 : i64, scratch_operands = 5 : i64, tpu.core_type = #tpu.core_type<sc_vector_subcore>, window_params = [{transform_indices = #map}, {transform_indices = #map1}, {transform_indices = #map1}]} {
    %mul3A = arith.constant 2 : i32
    %mul3A_0 = arith.muli %arg1, %mul3A : i32
    %add3A = arith.addi %mul3A_0, %arg0 : i32
    %mul3A_1 = arith.constant 64 : i32
    %mul3A_2 = arith.muli %add3A, %mul3A_1 : i32
    tpu.enqueue_dma source(%arg3 : memref<64x1024xi32, #tpu.memory_space<hbm>>) target(%arg5 : memref<64x1024xi32, #tpu.memory_space<vmem>>) target_semaphore(%arg7 : memref<!tpu.dma_semaphore, #tpu.memory_space<semaphore_mem>>)
    %dma_start3A = arith.constant 0 : i32
    %dma_start3A_3 = arith.constant 0 : i32
    %dma_start3A_4 = tpu.memref_slice %arg6[%dma_start3A, %dma_start3A_3] : memref<2x16384xi32, #tpu.memory_space<vmem>> -> memref<1x16384xi32, #tpu.memory_space<vmem>>
    %dma_start3A_5 = tpu.memref_squeeze %dma_start3A_4 : memref<1x16384xi32, #tpu.memory_space<vmem>> -> memref<16384xi32, #tpu.memory_space<vmem>>
    %dma_start3A_6 = arith.constant 0 : i32
    %dma_start3A_7 = tpu.memref_slice %arg2[%dma_start3A_6] : memref<32768xi32, #tpu.memory_space<hbm>> -> memref<16384xi32, #tpu.memory_space<hbm>>
    %dma_start3A_8 = arith.constant 0 : i32
    %dma_start3A_9 = tpu.memref_slice %arg6[%dma_start3A, %dma_start3A_8] : memref<2x16384xi32, #tpu.memory_space<vmem>> -> memref<1x16384xi32, #tpu.memory_space<vmem>>
    %dma_start3A_10 = tpu.memref_squeeze %dma_start3A_9 : memref<1x16384xi32, #tpu.memory_space<vmem>> -> memref<16384xi32, #tpu.memory_space<vmem>>
    %dma_start3A_11 = arith.constant 0 : i32
    %dma_start3A_12 = tpu.memref_slice %arg2[%dma_start3A_11] : memref<32768xi32, #tpu.memory_space<hbm>> -> memref<16384xi32, #tpu.memory_space<hbm>>
    tpu.enqueue_dma source(%dma_start3A_12 : memref<16384xi32, #tpu.memory_space<hbm>>) target(%dma_start3A_10 : memref<16384xi32, #tpu.memory_space<vmem>>) target_semaphore(%arg8 : memref<!tpu.dma_semaphore, #tpu.memory_space<semaphore_mem>>)
    tpu.wait_dma2 semaphore(%arg7 : memref<!tpu.dma_semaphore, #tpu.memory_space<semaphore_mem>>) src(%arg3 : memref<64x1024xi32, #tpu.memory_space<hbm>>) dst(%arg5 : memref<64x1024xi32, #tpu.memory_space<vmem>>)
    %dma_start3A_13 = arith.constant 1 : i32
    %dma_start3A_14 = arith.constant 0 : i32
    %dma_start3A_15 = tpu.memref_slice %arg6[%dma_start3A_13, %dma_start3A_14] : memref<2x16384xi32, #tpu.memory_space<vmem>> -> memref<1x16384xi32, #tpu.memory_space<vmem>>
    %dma_start3A_16 = tpu.memref_squeeze %dma_start3A_15 : memref<1x16384xi32, #tpu.memory_space<vmem>> -> memref<16384xi32, #tpu.memory_space<vmem>>
    %dma_start3A_17 = arith.constant 16384 : i32
    %dma_start3A_18 = tpu.memref_slice %arg2[%dma_start3A_17] : memref<32768xi32, #tpu.memory_space<hbm>> -> memref<16384xi32, #tpu.memory_space<hbm>>
    %dma_start3A_19 = arith.constant 0 : i32
    %dma_start3A_20 = tpu.memref_slice %arg6[%dma_start3A_13, %dma_start3A_19] : memref<2x16384xi32, #tpu.memory_space<vmem>> -> memref<1x16384xi32, #tpu.memory_space<vmem>>
    %dma_start3A_21 = tpu.memref_squeeze %dma_start3A_20 : memref<1x16384xi32, #tpu.memory_space<vmem>> -> memref<16384xi32, #tpu.memory_space<vmem>>
    %dma_start3A_22 = arith.constant 16384 : i32
    %dma_start3A_23 = tpu.memref_slice %arg2[%dma_start3A_22] : memref<32768xi32, #tpu.memory_space<hbm>> -> memref<16384xi32, #tpu.memory_space<hbm>>
    tpu.enqueue_dma source(%dma_start3A_23 : memref<16384xi32, #tpu.memory_space<hbm>>) target(%dma_start3A_21 : memref<16384xi32, #tpu.memory_space<vmem>>) target_semaphore(%arg9 : memref<!tpu.dma_semaphore, #tpu.memory_space<semaphore_mem>>)
    %dma_wait3A = arith.constant 0 : i32
    %dma_wait3A_24 = arith.constant 0 : i32
    %dma_wait3A_25 = tpu.memref_slice %arg6[%dma_wait3A, %dma_wait3A_24] : memref<2x16384xi32, #tpu.memory_space<vmem>> -> memref<1x16384xi32, #tpu.memory_space<vmem>>
    %dma_wait3A_26 = tpu.memref_squeeze %dma_wait3A_25 : memref<1x16384xi32, #tpu.memory_space<vmem>> -> memref<16384xi32, #tpu.memory_space<vmem>>
    %dma_wait3A_27 = arith.constant 0 : i32
    %dma_wait3A_28 = tpu.memref_slice %arg2[%dma_wait3A_27] : memref<32768xi32, #tpu.memory_space<hbm>> -> memref<16384xi32, #tpu.memory_space<hbm>>
    %dma_wait3A_29 = arith.constant 0 : i32
    %dma_wait3A_30 = tpu.memref_slice %arg6[%dma_wait3A, %dma_wait3A_29] : memref<2x16384xi32, #tpu.memory_space<vmem>> -> memref<1x16384xi32, #tpu.memory_space<vmem>>
    %dma_wait3A_31 = tpu.memref_squeeze %dma_wait3A_30 : memref<1x16384xi32, #tpu.memory_space<vmem>> -> memref<16384xi32, #tpu.memory_space<vmem>>
    %dma_wait3A_32 = arith.constant 0 : i32
    %dma_wait3A_33 = tpu.memref_slice %arg2[%dma_wait3A_32] : memref<32768xi32, #tpu.memory_space<hbm>> -> memref<16384xi32, #tpu.memory_space<hbm>>
    tpu.wait_dma2 semaphore(%arg8 : memref<!tpu.dma_semaphore, #tpu.memory_space<semaphore_mem>>) src(%dma_wait3A_33 : memref<16384xi32, #tpu.memory_space<hbm>>) dst(%dma_wait3A_31 : memref<16384xi32, #tpu.memory_space<vmem>>)
    %scan3A = arith.constant 0 : i32
    %scan3A_34 = arith.constant 0 : i32
    %scan3A_35 = arith.constant 1024 : i32
    %scan3A_36 = arith.addi %scan3A_34, %scan3A_35 : i32
    %scan3A_37 = arith.constant 8 : i32
    scf.for %scan3A_56 = %scan3A_34 to %scan3A_36 step %scan3A_37  : i32 {
      %mul3A_57 = arith.constant 16 : i32
      %mul3A_58 = arith.muli %scan3A_56, %mul3A_57 : i32
      %get3A = arith.constant 0 : i32
      %get3A_59 = arith.index_cast %get3A : i32 to index
      %get3A_60 = arith.index_cast %mul3A_58 : i32 to index
      %get3A_61 = tpu.vector_load %arg6[%get3A_59, %get3A_60] {strides = array<i32>} : memref<2x16384xi32, #tpu.memory_space<vmem>>, vector<16xi32>,
      %shift_right_logical3A = arith.constant 11 : i32
      %shift_right_logical3A_62 = vector.broadcast %shift_right_logical3A : i32 to vector<16xi32>
      %shift_right_logical3A_63 = arith.shrui %get3A_61, %shift_right_logical3A_62 : vector<16xi32>
      %and3A = arith.constant 2047 : i32
      %and3A_64 = vector.broadcast %and3A : i32 to vector<16xi32>
      %and3A_65 = arith.andi %get3A_61, %and3A_64 : vector<16xi32>
      %sub3A = vector.broadcast %mul3A_2 : i32 to vector<16xi32>
      %sub3A_66 = arith.subi %shift_right_logical3A_63, %sub3A : vector<16xi32>
      %ge3A = arith.constant 0 : i32
      %ge3A_67 = vector.broadcast %ge3A : i32 to vector<16xi32>
      %ge3A_68 = arith.cmpi sge, %sub3A_66, %ge3A_67 : vector<16xi32>
      %lt3A = arith.constant 64 : i32
      %lt3A_69 = vector.broadcast %lt3A : i32 to vector<16xi32>
      %lt3A_70 = arith.cmpi slt, %sub3A_66, %lt3A_69 : vector<16xi32>
      %and3A_71 = arith.andi %ge3A_68, %lt3A_70 : vector<16xi1>
      %ne3A = arith.cmpi ne, %shift_right_logical3A_63, %and3A_65 : vector<16xi32>
      %and3A_72 = arith.andi %and3A_71, %ne3A : vector<16xi1>
      %and3A_73 = arith.constant 1023 : i32
      %and3A_74 = vector.broadcast %and3A_73 : i32 to vector<16xi32>
      %and3A_75 = arith.andi %and3A_65, %and3A_74 : vector<16xi32>
      %ge3A_76 = arith.constant 1024 : i32
      %ge3A_77 = vector.broadcast %ge3A_76 : i32 to vector<16xi32>
      %ge3A_78 = arith.cmpi sge, %and3A_65, %ge3A_77 : vector<16xi32>
      %jit3A = arith.constant 65536 : i32
      %jit3A_79 = arith.constant 1 : i32
      %broadcast_in_dim3A = vector.broadcast %jit3A : i32 to vector<16xi32>
      %broadcast_in_dim3A_80 = vector.broadcast %jit3A_79 : i32 to vector<16xi32>
      %select_n3A = arith.select %ge3A_78, %broadcast_in_dim3A, %broadcast_in_dim3A_80 : vector<16xi1>, vector<16xi32>
      tpu.vector_store_idx %arg5[%sub3A_66, %and3A_75], %select_n3A masked %and3A_72 {add = true} : memref<64x1024xi32, #tpu.memory_space<vmem>>[vector<16xi32>, vector<16xi32>], vector<16xi32>, vector<16xi1>
      %scan3A_81 = arith.constant 1 : i32
      %scan3A_82 = arith.addi %scan3A_56, %scan3A_81 : i32
      %mul3A_83 = arith.constant 16 : i32
      %mul3A_84 = arith.muli %scan3A_82, %mul3A_83 : i32
      %get3A_85 = arith.constant 0 : i32
      %get3A_86 = arith.index_cast %get3A_85 : i32 to index
      %get3A_87 = arith.index_cast %mul3A_84 : i32 to index
      %get3A_88 = tpu.vector_load %arg6[%get3A_86, %get3A_87] {strides = array<i32>} : memref<2x16384xi32, #tpu.memory_space<vmem>>, vector<16xi32>,
      %shift_right_logical3A_89 = arith.constant 11 : i32
      %shift_right_logical3A_90 = vector.broadcast %shift_right_logical3A_89 : i32 to vector<16xi32>
      %shift_right_logical3A_91 = arith.shrui %get3A_88, %shift_right_logical3A_90 : vector<16xi32>
      %and3A_92 = arith.constant 2047 : i32
      %and3A_93 = vector.broadcast %and3A_92 : i32 to vector<16xi32>
      %and3A_94 = arith.andi %get3A_88, %and3A_93 : vector<16xi32>
      %sub3A_95 = vector.broadcast %mul3A_2 : i32 to vector<16xi32>
      %sub3A_96 = arith.subi %shift_right_logical3A_91, %sub3A_95 : vector<16xi32>
      %ge3A_97 = arith.constant 0 : i32
      %ge3A_98 = vector.broadcast %ge3A_97 : i32 to vector<16xi32>
      %ge3A_99 = arith.cmpi sge, %sub3A_96, %ge3A_98 : vector<16xi32>
      %lt3A_100 = arith.constant 64 : i32
      %lt3A_101 = vector.broadcast %lt3A_100 : i32 to vector<16xi32>
      %lt3A_102 = arith.cmpi slt, %sub3A_96, %lt3A_101 : vector<16xi32>
      %and3A_103 = arith.andi %ge3A_99, %lt3A_102 : vector<16xi1>
      %ne3A_104 = arith.cmpi ne, %shift_right_logical3A_91, %and3A_94 : vector<16xi32>
      %and3A_105 = arith.andi %and3A_103, %ne3A_104 : vector<16xi1>
      %and3A_106 = arith.constant 1023 : i32
      %and3A_107 = vector.broadcast %and3A_106 : i32 to vector<16xi32>
      %and3A_108 = arith.andi %and3A_94, %and3A_107 : vector<16xi32>
      %ge3A_109 = arith.constant 1024 : i32
      %ge3A_110 = vector.broadcast %ge3A_109 : i32 to vector<16xi32>
      %ge3A_111 = arith.cmpi sge, %and3A_94, %ge3A_110 : vector<16xi32>
      %jit3A_112 = arith.constant 65536 : i32
      %jit3A_113 = arith.constant 1 : i32
      %broadcast_in_dim3A_114 = vector.broadcast %jit3A_112 : i32 to vector<16xi32>
      %broadcast_in_dim3A_115 = vector.broadcast %jit3A_113 : i32 to vector<16xi32>
      %select_n3A_116 = arith.select %ge3A_111, %broadcast_in_dim3A_114, %broadcast_in_dim3A_115 : vector<16xi1>, vector<16xi32>
      tpu.vector_store_idx %arg5[%sub3A_96, %and3A_108], %select_n3A_116 masked %and3A_105 {add = true} : memref<64x1024xi32, #tpu.memory_space<vmem>>[vector<16xi32>, vector<16xi32>], vector<16xi32>, vector<16xi1>
      %scan3A_117 = arith.constant 2 : i32
      %scan3A_118 = arith.addi %scan3A_56, %scan3A_117 : i32
      %mul3A_119 = arith.constant 16 : i32
      %mul3A_120 = arith.muli %scan3A_118, %mul3A_119 : i32
      %get3A_121 = arith.constant 0 : i32
      %get3A_122 = arith.index_cast %get3A_121 : i32 to index
      %get3A_123 = arith.index_cast %mul3A_120 : i32 to index
      %get3A_124 = tpu.vector_load %arg6[%get3A_122, %get3A_123] {strides = array<i32>} : memref<2x16384xi32, #tpu.memory_space<vmem>>, vector<16xi32>,
      %shift_right_logical3A_125 = arith.constant 11 : i32
      %shift_right_logical3A_126 = vector.broadcast %shift_right_logical3A_125 : i32 to vector<16xi32>
      %shift_right_logical3A_127 = arith.shrui %get3A_124, %shift_right_logical3A_126 : vector<16xi32>
      %and3A_128 = arith.constant 2047 : i32
      %and3A_129 = vector.broadcast %and3A_128 : i32 to vector<16xi32>
      %and3A_130 = arith.andi %get3A_124, %and3A_129 : vector<16xi32>
      %sub3A_131 = vector.broadcast %mul3A_2 : i32 to vector<16xi32>
      %sub3A_132 = arith.subi %shift_right_logical3A_127, %sub3A_131 : vector<16xi32>
      %ge3A_133 = arith.constant 0 : i32
      %ge3A_134 = vector.broadcast %ge3A_133 : i32 to vector<16xi32>
      %ge3A_135 = arith.cmpi sge, %sub3A_132, %ge3A_134 : vector<16xi32>
      %lt3A_136 = arith.constant 64 : i32
      %lt3A_137 = vector.broadcast %lt3A_136 : i32 to vector<16xi32>
      %lt3A_138 = arith.cmpi slt, %sub3A_132, %lt3A_137 : vector<16xi32>
      %and3A_139 = arith.andi %ge3A_135, %lt3A_138 : vector<16xi1>
      %ne3A_140 = arith.cmpi ne, %shift_right_logical3A_127, %and3A_130 : vector<16xi32>
      %and3A_141 = arith.andi %and3A_139, %ne3A_140 : vector<16xi1>
      %and3A_142 = arith.constant 1023 : i32
      %and3A_143 = vector.broadcast %and3A_142 : i32 to vector<16xi32>
      %and3A_144 = arith.andi %and3A_130, %and3A_143 : vector<16xi32>
      %ge3A_145 = arith.constant 1024 : i32
      %ge3A_146 = vector.broadcast %ge3A_145 : i32 to vector<16xi32>
      %ge3A_147 = arith.cmpi sge, %and3A_130, %ge3A_146 : vector<16xi32>
      %jit3A_148 = arith.constant 65536 : i32
      %jit3A_149 = arith.constant 1 : i32
      %broadcast_in_dim3A_150 = vector.broadcast %jit3A_148 : i32 to vector<16xi32>
      %broadcast_in_dim3A_151 = vector.broadcast %jit3A_149 : i32 to vector<16xi32>
      %select_n3A_152 = arith.select %ge3A_147, %broadcast_in_dim3A_150, %broadcast_in_dim3A_151 : vector<16xi1>, vector<16xi32>
      tpu.vector_store_idx %arg5[%sub3A_132, %and3A_144], %select_n3A_152 masked %and3A_141 {add = true} : memref<64x1024xi32, #tpu.memory_space<vmem>>[vector<16xi32>, vector<16xi32>], vector<16xi32>, vector<16xi1>
      %scan3A_153 = arith.constant 3 : i32
      %scan3A_154 = arith.addi %scan3A_56, %scan3A_153 : i32
      %mul3A_155 = arith.constant 16 : i32
      %mul3A_156 = arith.muli %scan3A_154, %mul3A_155 : i32
      %get3A_157 = arith.constant 0 : i32
      %get3A_158 = arith.index_cast %get3A_157 : i32 to index
      %get3A_159 = arith.index_cast %mul3A_156 : i32 to index
      %get3A_160 = tpu.vector_load %arg6[%get3A_158, %get3A_159] {strides = array<i32>} : memref<2x16384xi32, #tpu.memory_space<vmem>>, vector<16xi32>,
      %shift_right_logical3A_161 = arith.constant 11 : i32
      %shift_right_logical3A_162 = vector.broadcast %shift_right_logical3A_161 : i32 to vector<16xi32>
      %shift_right_logical3A_163 = arith.shrui %get3A_160, %shift_right_logical3A_162 : vector<16xi32>
      %and3A_164 = arith.constant 2047 : i32
      %and3A_165 = vector.broadcast %and3A_164 : i32 to vector<16xi32>
      %and3A_166 = arith.andi %get3A_160, %and3A_165 : vector<16xi32>
      %sub3A_167 = vector.broadcast %mul3A_2 : i32 to vector<16xi32>
      %sub3A_168 = arith.subi %shift_right_logical3A_163, %sub3A_167 : vector<16xi32>
      %ge3A_169 = arith.constant 0 : i32
      %ge3A_170 = vector.broadcast %ge3A_169 : i32 to vector<16xi32>
      %ge3A_171 = arith.cmpi sge, %sub3A_168, %ge3A_170 : vector<16xi32>
      %lt3A_172 = arith.constant 64 : i32
      %lt3A_173 = vector.broadcast %lt3A_172 : i32 to vector<16xi32>
      %lt3A_174 = arith.cmpi slt, %sub3A_168, %lt3A_173 : vector<16xi32>
      %and3A_175 = arith.andi %ge3A_171, %lt3A_174 : vector<16xi1>
      %ne3A_176 = arith.cmpi ne, %shift_right_logical3A_163, %and3A_166 : vector<16xi32>
      %and3A_177 = arith.andi %and3A_175, %ne3A_176 : vector<16xi1>
      %and3A_178 = arith.constant 1023 : i32
      %and3A_179 = vector.broadcast %and3A_178 : i32 to vector<16xi32>
      %and3A_180 = arith.andi %and3A_166, %and3A_179 : vector<16xi32>
      %ge3A_181 = arith.constant 1024 : i32
      %ge3A_182 = vector.broadcast %ge3A_181 : i32 to vector<16xi32>
      %ge3A_183 = arith.cmpi sge, %and3A_166, %ge3A_182 : vector<16xi32>
      %jit3A_184 = arith.constant 65536 : i32
      %jit3A_185 = arith.constant 1 : i32
      %broadcast_in_dim3A_186 = vector.broadcast %jit3A_184 : i32 to vector<16xi32>
      %broadcast_in_dim3A_187 = vector.broadcast %jit3A_185 : i32 to vector<16xi32>
      %select_n3A_188 = arith.select %ge3A_183, %broadcast_in_dim3A_186, %broadcast_in_dim3A_187 : vector<16xi1>, vector<16xi32>
      tpu.vector_store_idx %arg5[%sub3A_168, %and3A_180], %select_n3A_188 masked %and3A_177 {add = true} : memref<64x1024xi32, #tpu.memory_space<vmem>>[vector<16xi32>, vector<16xi32>], vector<16xi32>, vector<16xi1>
      %scan3A_189 = arith.constant 4 : i32
      %scan3A_190 = arith.addi %scan3A_56, %scan3A_189 : i32
      %mul3A_191 = arith.constant 16 : i32
      %mul3A_192 = arith.muli %scan3A_190, %mul3A_191 : i32
      %get3A_193 = arith.constant 0 : i32
      %get3A_194 = arith.index_cast %get3A_193 : i32 to index
      %get3A_195 = arith.index_cast %mul3A_192 : i32 to index
      %get3A_196 = tpu.vector_load %arg6[%get3A_194, %get3A_195] {strides = array<i32>} : memref<2x16384xi32, #tpu.memory_space<vmem>>, vector<16xi32>,
      %shift_right_logical3A_197 = arith.constant 11 : i32
      %shift_right_logical3A_198 = vector.broadcast %shift_right_logical3A_197 : i32 to vector<16xi32>
      %shift_right_logical3A_199 = arith.shrui %get3A_196, %shift_right_logical3A_198 : vector<16xi32>
      %and3A_200 = arith.constant 2047 : i32
      %and3A_201 = vector.broadcast %and3A_200 : i32 to vector<16xi32>
      %and3A_202 = arith.andi %get3A_196, %and3A_201 : vector<16xi32>
      %sub3A_203 = vector.broadcast %mul3A_2 : i32 to vector<16xi32>
      %sub3A_204 = arith.subi %shift_right_logical3A_199, %sub3A_203 : vector<16xi32>
      %ge3A_205 = arith.constant 0 : i32
      %ge3A_206 = vector.broadcast %ge3A_205 : i32 to vector<16xi32>
      %ge3A_207 = arith.cmpi sge, %sub3A_204, %ge3A_206 : vector<16xi32>
      %lt3A_208 = arith.constant 64 : i32
      %lt3A_209 = vector.broadcast %lt3A_208 : i32 to vector<16xi32>
      %lt3A_210 = arith.cmpi slt, %sub3A_204, %lt3A_209 : vector<16xi32>
      %and3A_211 = arith.andi %ge3A_207, %lt3A_210 : vector<16xi1>
      %ne3A_212 = arith.cmpi ne, %shift_right_logical3A_199, %and3A_202 : vector<16xi32>
      %and3A_213 = arith.andi %and3A_211, %ne3A_212 : vector<16xi1>
      %and3A_214 = arith.constant 1023 : i32
      %and3A_215 = vector.broadcast %and3A_214 : i32 to vector<16xi32>
      %and3A_216 = arith.andi %and3A_202, %and3A_215 : vector<16xi32>
      %ge3A_217 = arith.constant 1024 : i32
      %ge3A_218 = vector.broadcast %ge3A_217 : i32 to vector<16xi32>
      %ge3A_219 = arith.cmpi sge, %and3A_202, %ge3A_218 : vector<16xi32>
      %jit3A_220 = arith.constant 65536 : i32
      %jit3A_221 = arith.constant 1 : i32
      %broadcast_in_dim3A_222 = vector.broadcast %jit3A_220 : i32 to vector<16xi32>
      %broadcast_in_dim3A_223 = vector.broadcast %jit3A_221 : i32 to vector<16xi32>
      %select_n3A_224 = arith.select %ge3A_219, %broadcast_in_dim3A_222, %broadcast_in_dim3A_223 : vector<16xi1>, vector<16xi32>
      tpu.vector_store_idx %arg5[%sub3A_204, %and3A_216], %select_n3A_224 masked %and3A_213 {add = true} : memref<64x1024xi32, #tpu.memory_space<vmem>>[vector<16xi32>, vector<16xi32>], vector<16xi32>, vector<16xi1>
      %scan3A_225 = arith.constant 5 : i32
      %scan3A_226 = arith.addi %scan3A_56, %scan3A_225 : i32
      %mul3A_227 = arith.constant 16 : i32
      %mul3A_228 = arith.muli %scan3A_226, %mul3A_227 : i32
      %get3A_229 = arith.constant 0 : i32
      %get3A_230 = arith.index_cast %get3A_229 : i32 to index
      %get3A_231 = arith.index_cast %mul3A_228 : i32 to index
      %get3A_232 = tpu.vector_load %arg6[%get3A_230, %get3A_231] {strides = array<i32>} : memref<2x16384xi32, #tpu.memory_space<vmem>>, vector<16xi32>,
      %shift_right_logical3A_233 = arith.constant 11 : i32
      %shift_right_logical3A_234 = vector.broadcast %shift_right_logical3A_233 : i32 to vector<16xi32>
      %shift_right_logical3A_235 = arith.shrui %get3A_232, %shift_right_logical3A_234 : vector<16xi32>
      %and3A_236 = arith.constant 2047 : i32
      %and3A_237 = vector.broadcast %and3A_236 : i32 to vector<16xi32>
      %and3A_238 = arith.andi %get3A_232, %and3A_237 : vector<16xi32>
      %sub3A_239 = vector.broadcast %mul3A_2 : i32 to vector<16xi32>
      %sub3A_240 = arith.subi %shift_right_logical3A_235, %sub3A_239 : vector<16xi32>
      %ge3A_241 = arith.constant 0 : i32
      %ge3A_242 = vector.broadcast %ge3A_241 : i32 to vector<16xi32>
      %ge3A_243 = arith.cmpi sge, %sub3A_240, %ge3A_242 : vector<16xi32>
      %lt3A_244 = arith.constant 64 : i32
      %lt3A_245 = vector.broadcast %lt3A_244 : i32 to vector<16xi32>
      %lt3A_246 = arith.cmpi slt, %sub3A_240, %lt3A_245 : vector<16xi32>
      %and3A_247 = arith.andi %ge3A_243, %lt3A_246 : vector<16xi1>
      %ne3A_248 = arith.cmpi ne, %shift_right_logical3A_235, %and3A_238 : vector<16xi32>
      %and3A_249 = arith.andi %and3A_247, %ne3A_248 : vector<16xi1>
      %and3A_250 = arith.constant 1023 : i32
      %and3A_251 = vector.broadcast %and3A_250 : i32 to vector<16xi32>
      %and3A_252 = arith.andi %and3A_238, %and3A_251 : vector<16xi32>
      %ge3A_253 = arith.constant 1024 : i32
      %ge3A_254 = vector.broadcast %ge3A_253 : i32 to vector<16xi32>
      %ge3A_255 = arith.cmpi sge, %and3A_238, %ge3A_254 : vector<16xi32>
      %jit3A_256 = arith.constant 65536 : i32
      %jit3A_257 = arith.constant 1 : i32
      %broadcast_in_dim3A_258 = vector.broadcast %jit3A_256 : i32 to vector<16xi32>
      %broadcast_in_dim3A_259 = vector.broadcast %jit3A_257 : i32 to vector<16xi32>
      %select_n3A_260 = arith.select %ge3A_255, %broadcast_in_dim3A_258, %broadcast_in_dim3A_259 : vector<16xi1>, vector<16xi32>
      tpu.vector_store_idx %arg5[%sub3A_240, %and3A_252], %select_n3A_260 masked %and3A_249 {add = true} : memref<64x1024xi32, #tpu.memory_space<vmem>>[vector<16xi32>, vector<16xi32>], vector<16xi32>, vector<16xi1>
      %scan3A_261 = arith.constant 6 : i32
      %scan3A_262 = arith.addi %scan3A_56, %scan3A_261 : i32
      %mul3A_263 = arith.constant 16 : i32
      %mul3A_264 = arith.muli %scan3A_262, %mul3A_263 : i32
      %get3A_265 = arith.constant 0 : i32
      %get3A_266 = arith.index_cast %get3A_265 : i32 to index
      %get3A_267 = arith.index_cast %mul3A_264 : i32 to index
      %get3A_268 = tpu.vector_load %arg6[%get3A_266, %get3A_267] {strides = array<i32>} : memref<2x16384xi32, #tpu.memory_space<vmem>>, vector<16xi32>,
      %shift_right_logical3A_269 = arith.constant 11 : i32
      %shift_right_logical3A_270 = vector.broadcast %shift_right_logical3A_269 : i32 to vector<16xi32>
      %shift_right_logical3A_271 = arith.shrui %get3A_268, %shift_right_logical3A_270 : vector<16xi32>
      %and3A_272 = arith.constant 2047 : i32
      %and3A_273 = vector.broadcast %and3A_272 : i32 to vector<16xi32>
      %and3A_274 = arith.andi %get3A_268, %and3A_273 : vector<16xi32>
      %sub3A_275 = vector.broadcast %mul3A_2 : i32 to vector<16xi32>
      %sub3A_276 = arith.subi %shift_right_logical3A_271, %sub3A_275 : vector<16xi32>
      %ge3A_277 = arith.constant 0 : i32
      %ge3A_278 = vector.broadcast %ge3A_277 : i32 to vector<16xi32>
      %ge3A_279 = arith.cmpi sge, %sub3A_276, %ge3A_278 : vector<16xi32>
      %lt3A_280 = arith.constant 64 : i32
      %lt3A_281 = vector.broadcast %lt3A_280 : i32 to vector<16xi32>
      %lt3A_282 = arith.cmpi slt, %sub3A_276, %lt3A_281 : vector<16xi32>
      %and3A_283 = arith.andi %ge3A_279, %lt3A_282 : vector<16xi1>
      %ne3A_284 = arith.cmpi ne, %shift_right_logical3A_271, %and3A_274 : vector<16xi32>
      %and3A_285 = arith.andi %and3A_283, %ne3A_284 : vector<16xi1>
      %and3A_286 = arith.constant 1023 : i32
      %and3A_287 = vector.broadcast %and3A_286 : i32 to vector<16xi32>
      %and3A_288 = arith.andi %and3A_274, %and3A_287 : vector<16xi32>
      %ge3A_289 = arith.constant 1024 : i32
      %ge3A_290 = vector.broadcast %ge3A_289 : i32 to vector<16xi32>
      %ge3A_291 = arith.cmpi sge, %and3A_274, %ge3A_290 : vector<16xi32>
      %jit3A_292 = arith.constant 65536 : i32
      %jit3A_293 = arith.constant 1 : i32
      %broadcast_in_dim3A_294 = vector.broadcast %jit3A_292 : i32 to vector<16xi32>
      %broadcast_in_dim3A_295 = vector.broadcast %jit3A_293 : i32 to vector<16xi32>
      %select_n3A_296 = arith.select %ge3A_291, %broadcast_in_dim3A_294, %broadcast_in_dim3A_295 : vector<16xi1>, vector<16xi32>
      tpu.vector_store_idx %arg5[%sub3A_276, %and3A_288], %select_n3A_296 masked %and3A_285 {add = true} : memref<64x1024xi32, #tpu.memory_space<vmem>>[vector<16xi32>, vector<16xi32>], vector<16xi32>, vector<16xi1>
      %scan3A_297 = arith.constant 7 : i32
      %scan3A_298 = arith.addi %scan3A_56, %scan3A_297 : i32
      %mul3A_299 = arith.constant 16 : i32
      %mul3A_300 = arith.muli %scan3A_298, %mul3A_299 : i32
      %get3A_301 = arith.constant 0 : i32
      %get3A_302 = arith.index_cast %get3A_301 : i32 to index
      %get3A_303 = arith.index_cast %mul3A_300 : i32 to index
      %get3A_304 = tpu.vector_load %arg6[%get3A_302, %get3A_303] {strides = array<i32>} : memref<2x16384xi32, #tpu.memory_space<vmem>>, vector<16xi32>,
      %shift_right_logical3A_305 = arith.constant 11 : i32
      %shift_right_logical3A_306 = vector.broadcast %shift_right_logical3A_305 : i32 to vector<16xi32>
      %shift_right_logical3A_307 = arith.shrui %get3A_304, %shift_right_logical3A_306 : vector<16xi32>
      %and3A_308 = arith.constant 2047 : i32
      %and3A_309 = vector.broadcast %and3A_308 : i32 to vector<16xi32>
      %and3A_310 = arith.andi %get3A_304, %and3A_309 : vector<16xi32>
      %sub3A_311 = vector.broadcast %mul3A_2 : i32 to vector<16xi32>
      %sub3A_312 = arith.subi %shift_right_logical3A_307, %sub3A_311 : vector<16xi32>
      %ge3A_313 = arith.constant 0 : i32
      %ge3A_314 = vector.broadcast %ge3A_313 : i32 to vector<16xi32>
      %ge3A_315 = arith.cmpi sge, %sub3A_312, %ge3A_314 : vector<16xi32>
      %lt3A_316 = arith.constant 64 : i32
      %lt3A_317 = vector.broadcast %lt3A_316 : i32 to vector<16xi32>
      %lt3A_318 = arith.cmpi slt, %sub3A_312, %lt3A_317 : vector<16xi32>
      %and3A_319 = arith.andi %ge3A_315, %lt3A_318 : vector<16xi1>
      %ne3A_320 = arith.cmpi ne, %shift_right_logical3A_307, %and3A_310 : vector<16xi32>
      %and3A_321 = arith.andi %and3A_319, %ne3A_320 : vector<16xi1>
      %and3A_322 = arith.constant 1023 : i32
      %and3A_323 = vector.broadcast %and3A_322 : i32 to vector<16xi32>
      %and3A_324 = arith.andi %and3A_310, %and3A_323 : vector<16xi32>
      %ge3A_325 = arith.constant 1024 : i32
      %ge3A_326 = vector.broadcast %ge3A_325 : i32 to vector<16xi32>
      %ge3A_327 = arith.cmpi sge, %and3A_310, %ge3A_326 : vector<16xi32>
      %jit3A_328 = arith.constant 65536 : i32
      %jit3A_329 = arith.constant 1 : i32
      %broadcast_in_dim3A_330 = vector.broadcast %jit3A_328 : i32 to vector<16xi32>
      %broadcast_in_dim3A_331 = vector.broadcast %jit3A_329 : i32 to vector<16xi32>
      %select_n3A_332 = arith.select %ge3A_327, %broadcast_in_dim3A_330, %broadcast_in_dim3A_331 : vector<16xi1>, vector<16xi32>
      tpu.vector_store_idx %arg5[%sub3A_312, %and3A_324], %select_n3A_332 masked %and3A_321 {add = true} : memref<64x1024xi32, #tpu.memory_space<vmem>>[vector<16xi32>, vector<16xi32>], vector<16xi32>, vector<16xi1>
    }
    %scan3A_38 = arith.constant 1024 : i32
    %dma_wait3A_39 = arith.constant 1 : i32
    %dma_wait3A_40 = arith.constant 0 : i32
    %dma_wait3A_41 = tpu.memref_slice %arg6[%dma_wait3A_39, %dma_wait3A_40] : memref<2x16384xi32, #tpu.memory_space<vmem>> -> memref<1x16384xi32, #tpu.memory_space<vmem>>
    %dma_wait3A_42 = tpu.memref_squeeze %dma_wait3A_41 : memref<1x16384xi32, #tpu.memory_space<vmem>> -> memref<16384xi32, #tpu.memory_space<vmem>>
    %dma_wait3A_43 = arith.constant 16384 : i32
    %dma_wait3A_44 = tpu.memref_slice %arg2[%dma_wait3A_43] : memref<32768xi32, #tpu.memory_space<hbm>> -> memref<16384xi32, #tpu.memory_space<hbm>>
    %dma_wait3A_45 = arith.constant 0 : i32
    %dma_wait3A_46 = tpu.memref_slice %arg6[%dma_wait3A_39, %dma_wait3A_45] : memref<2x16384xi32, #tpu.memory_space<vmem>> -> memref<1x16384xi32, #tpu.memory_space<vmem>>
    %dma_wait3A_47 = tpu.memref_squeeze %dma_wait3A_46 : memref<1x16384xi32, #tpu.memory_space<vmem>> -> memref<16384xi32, #tpu.memory_space<vmem>>
    %dma_wait3A_48 = arith.constant 16384 : i32
    %dma_wait3A_49 = tpu.memref_slice %arg2[%dma_wait3A_48] : memref<32768xi32, #tpu.memory_space<hbm>> -> memref<16384xi32, #tpu.memory_space<hbm>>
    tpu.wait_dma2 semaphore(%arg9 : memref<!tpu.dma_semaphore, #tpu.memory_space<semaphore_mem>>) src(%dma_wait3A_49 : memref<16384xi32, #tpu.memory_space<hbm>>) dst(%dma_wait3A_47 : memref<16384xi32, #tpu.memory_space<vmem>>)
    %scan3A_50 = arith.constant 0 : i32
    %scan3A_51 = arith.constant 0 : i32
    %scan3A_52 = arith.constant 1024 : i32
    %scan3A_53 = arith.addi %scan3A_51, %scan3A_52 : i32
    %scan3A_54 = arith.constant 8 : i32
    scf.for %scan3A_56 = %scan3A_51 to %scan3A_53 step %scan3A_54  : i32 {
      %mul3A_57 = arith.constant 16 : i32
      %mul3A_58 = arith.muli %scan3A_56, %mul3A_57 : i32
      %get3A = arith.constant 1 : i32
      %get3A_59 = arith.index_cast %get3A : i32 to index
      %get3A_60 = arith.index_cast %mul3A_58 : i32 to index
      %get3A_61 = tpu.vector_load %arg6[%get3A_59, %get3A_60] {strides = array<i32>} : memref<2x16384xi32, #tpu.memory_space<vmem>>, vector<16xi32>,
      %shift_right_logical3A = arith.constant 11 : i32
      %shift_right_logical3A_62 = vector.broadcast %shift_right_logical3A : i32 to vector<16xi32>
      %shift_right_logical3A_63 = arith.shrui %get3A_61, %shift_right_logical3A_62 : vector<16xi32>
      %and3A = arith.constant 2047 : i32
      %and3A_64 = vector.broadcast %and3A : i32 to vector<16xi32>
      %and3A_65 = arith.andi %get3A_61, %and3A_64 : vector<16xi32>
      %sub3A = vector.broadcast %mul3A_2 : i32 to vector<16xi32>
      %sub3A_66 = arith.subi %shift_right_logical3A_63, %sub3A : vector<16xi32>
      %ge3A = arith.constant 0 : i32
      %ge3A_67 = vector.broadcast %ge3A : i32 to vector<16xi32>
      %ge3A_68 = arith.cmpi sge, %sub3A_66, %ge3A_67 : vector<16xi32>
      %lt3A = arith.constant 64 : i32
      %lt3A_69 = vector.broadcast %lt3A : i32 to vector<16xi32>
      %lt3A_70 = arith.cmpi slt, %sub3A_66, %lt3A_69 : vector<16xi32>
      %and3A_71 = arith.andi %ge3A_68, %lt3A_70 : vector<16xi1>
      %ne3A = arith.cmpi ne, %shift_right_logical3A_63, %and3A_65 : vector<16xi32>
      %and3A_72 = arith.andi %and3A_71, %ne3A : vector<16xi1>
      %and3A_73 = arith.constant 1023 : i32
      %and3A_74 = vector.broadcast %and3A_73 : i32 to vector<16xi32>
      %and3A_75 = arith.andi %and3A_65, %and3A_74 : vector<16xi32>
      %ge3A_76 = arith.constant 1024 : i32
      %ge3A_77 = vector.broadcast %ge3A_76 : i32 to vector<16xi32>
      %ge3A_78 = arith.cmpi sge, %and3A_65, %ge3A_77 : vector<16xi32>
      %jit3A = arith.constant 65536 : i32
      %jit3A_79 = arith.constant 1 : i32
      %broadcast_in_dim3A = vector.broadcast %jit3A : i32 to vector<16xi32>
      %broadcast_in_dim3A_80 = vector.broadcast %jit3A_79 : i32 to vector<16xi32>
      %select_n3A = arith.select %ge3A_78, %broadcast_in_dim3A, %broadcast_in_dim3A_80 : vector<16xi1>, vector<16xi32>
      tpu.vector_store_idx %arg5[%sub3A_66, %and3A_75], %select_n3A masked %and3A_72 {add = true} : memref<64x1024xi32, #tpu.memory_space<vmem>>[vector<16xi32>, vector<16xi32>], vector<16xi32>, vector<16xi1>
      %scan3A_81 = arith.constant 1 : i32
      %scan3A_82 = arith.addi %scan3A_56, %scan3A_81 : i32
      %mul3A_83 = arith.constant 16 : i32
      %mul3A_84 = arith.muli %scan3A_82, %mul3A_83 : i32
      %get3A_85 = arith.constant 1 : i32
      %get3A_86 = arith.index_cast %get3A_85 : i32 to index
      %get3A_87 = arith.index_cast %mul3A_84 : i32 to index
      %get3A_88 = tpu.vector_load %arg6[%get3A_86, %get3A_87] {strides = array<i32>} : memref<2x16384xi32, #tpu.memory_space<vmem>>, vector<16xi32>,
      %shift_right_logical3A_89 = arith.constant 11 : i32
      %shift_right_logical3A_90 = vector.broadcast %shift_right_logical3A_89 : i32 to vector<16xi32>
      %shift_right_logical3A_91 = arith.shrui %get3A_88, %shift_right_logical3A_90 : vector<16xi32>
      %and3A_92 = arith.constant 2047 : i32
      %and3A_93 = vector.broadcast %and3A_92 : i32 to vector<16xi32>
      %and3A_94 = arith.andi %get3A_88, %and3A_93 : vector<16xi32>
      %sub3A_95 = vector.broadcast %mul3A_2 : i32 to vector<16xi32>
      %sub3A_96 = arith.subi %shift_right_logical3A_91, %sub3A_95 : vector<16xi32>
      %ge3A_97 = arith.constant 0 : i32
      %ge3A_98 = vector.broadcast %ge3A_97 : i32 to vector<16xi32>
      %ge3A_99 = arith.cmpi sge, %sub3A_96, %ge3A_98 : vector<16xi32>
      %lt3A_100 = arith.constant 64 : i32
      %lt3A_101 = vector.broadcast %lt3A_100 : i32 to vector<16xi32>
      %lt3A_102 = arith.cmpi slt, %sub3A_96, %lt3A_101 : vector<16xi32>
      %and3A_103 = arith.andi %ge3A_99, %lt3A_102 : vector<16xi1>
      %ne3A_104 = arith.cmpi ne, %shift_right_logical3A_91, %and3A_94 : vector<16xi32>
      %and3A_105 = arith.andi %and3A_103, %ne3A_104 : vector<16xi1>
      %and3A_106 = arith.constant 1023 : i32
      %and3A_107 = vector.broadcast %and3A_106 : i32 to vector<16xi32>
      %and3A_108 = arith.andi %and3A_94, %and3A_107 : vector<16xi32>
      %ge3A_109 = arith.constant 1024 : i32
      %ge3A_110 = vector.broadcast %ge3A_109 : i32 to vector<16xi32>
      %ge3A_111 = arith.cmpi sge, %and3A_94, %ge3A_110 : vector<16xi32>
      %jit3A_112 = arith.constant 65536 : i32
      %jit3A_113 = arith.constant 1 : i32
      %broadcast_in_dim3A_114 = vector.broadcast %jit3A_112 : i32 to vector<16xi32>
      %broadcast_in_dim3A_115 = vector.broadcast %jit3A_113 : i32 to vector<16xi32>
      %select_n3A_116 = arith.select %ge3A_111, %broadcast_in_dim3A_114, %broadcast_in_dim3A_115 : vector<16xi1>, vector<16xi32>
      tpu.vector_store_idx %arg5[%sub3A_96, %and3A_108], %select_n3A_116 masked %and3A_105 {add = true} : memref<64x1024xi32, #tpu.memory_space<vmem>>[vector<16xi32>, vector<16xi32>], vector<16xi32>, vector<16xi1>
      %scan3A_117 = arith.constant 2 : i32
      %scan3A_118 = arith.addi %scan3A_56, %scan3A_117 : i32
      %mul3A_119 = arith.constant 16 : i32
      %mul3A_120 = arith.muli %scan3A_118, %mul3A_119 : i32
      %get3A_121 = arith.constant 1 : i32
      %get3A_122 = arith.index_cast %get3A_121 : i32 to index
      %get3A_123 = arith.index_cast %mul3A_120 : i32 to index
      %get3A_124 = tpu.vector_load %arg6[%get3A_122, %get3A_123] {strides = array<i32>} : memref<2x16384xi32, #tpu.memory_space<vmem>>, vector<16xi32>,
      %shift_right_logical3A_125 = arith.constant 11 : i32
      %shift_right_logical3A_126 = vector.broadcast %shift_right_logical3A_125 : i32 to vector<16xi32>
      %shift_right_logical3A_127 = arith.shrui %get3A_124, %shift_right_logical3A_126 : vector<16xi32>
      %and3A_128 = arith.constant 2047 : i32
      %and3A_129 = vector.broadcast %and3A_128 : i32 to vector<16xi32>
      %and3A_130 = arith.andi %get3A_124, %and3A_129 : vector<16xi32>
      %sub3A_131 = vector.broadcast %mul3A_2 : i32 to vector<16xi32>
      %sub3A_132 = arith.subi %shift_right_logical3A_127, %sub3A_131 : vector<16xi32>
      %ge3A_133 = arith.constant 0 : i32
      %ge3A_134 = vector.broadcast %ge3A_133 : i32 to vector<16xi32>
      %ge3A_135 = arith.cmpi sge, %sub3A_132, %ge3A_134 : vector<16xi32>
      %lt3A_136 = arith.constant 64 : i32
      %lt3A_137 = vector.broadcast %lt3A_136 : i32 to vector<16xi32>
      %lt3A_138 = arith.cmpi slt, %sub3A_132, %lt3A_137 : vector<16xi32>
      %and3A_139 = arith.andi %ge3A_135, %lt3A_138 : vector<16xi1>
      %ne3A_140 = arith.cmpi ne, %shift_right_logical3A_127, %and3A_130 : vector<16xi32>
      %and3A_141 = arith.andi %and3A_139, %ne3A_140 : vector<16xi1>
      %and3A_142 = arith.constant 1023 : i32
      %and3A_143 = vector.broadcast %and3A_142 : i32 to vector<16xi32>
      %and3A_144 = arith.andi %and3A_130, %and3A_143 : vector<16xi32>
      %ge3A_145 = arith.constant 1024 : i32
      %ge3A_146 = vector.broadcast %ge3A_145 : i32 to vector<16xi32>
      %ge3A_147 = arith.cmpi sge, %and3A_130, %ge3A_146 : vector<16xi32>
      %jit3A_148 = arith.constant 65536 : i32
      %jit3A_149 = arith.constant 1 : i32
      %broadcast_in_dim3A_150 = vector.broadcast %jit3A_148 : i32 to vector<16xi32>
      %broadcast_in_dim3A_151 = vector.broadcast %jit3A_149 : i32 to vector<16xi32>
      %select_n3A_152 = arith.select %ge3A_147, %broadcast_in_dim3A_150, %broadcast_in_dim3A_151 : vector<16xi1>, vector<16xi32>
      tpu.vector_store_idx %arg5[%sub3A_132, %and3A_144], %select_n3A_152 masked %and3A_141 {add = true} : memref<64x1024xi32, #tpu.memory_space<vmem>>[vector<16xi32>, vector<16xi32>], vector<16xi32>, vector<16xi1>
      %scan3A_153 = arith.constant 3 : i32
      %scan3A_154 = arith.addi %scan3A_56, %scan3A_153 : i32
      %mul3A_155 = arith.constant 16 : i32
      %mul3A_156 = arith.muli %scan3A_154, %mul3A_155 : i32
      %get3A_157 = arith.constant 1 : i32
      %get3A_158 = arith.index_cast %get3A_157 : i32 to index
      %get3A_159 = arith.index_cast %mul3A_156 : i32 to index
      %get3A_160 = tpu.vector_load %arg6[%get3A_158, %get3A_159] {strides = array<i32>} : memref<2x16384xi32, #tpu.memory_space<vmem>>, vector<16xi32>,
      %shift_right_logical3A_161 = arith.constant 11 : i32
      %shift_right_logical3A_162 = vector.broadcast %shift_right_logical3A_161 : i32 to vector<16xi32>
      %shift_right_logical3A_163 = arith.shrui %get3A_160, %shift_right_logical3A_162 : vector<16xi32>
      %and3A_164 = arith.constant 2047 : i32
      %and3A_165 = vector.broadcast %and3A_164 : i32 to vector<16xi32>
      %and3A_166 = arith.andi %get3A_160, %and3A_165 : vector<16xi32>
      %sub3A_167 = vector.broadcast %mul3A_2 : i32 to vector<16xi32>
      %sub3A_168 = arith.subi %shift_right_logical3A_163, %sub3A_167 : vector<16xi32>
      %ge3A_169 = arith.constant 0 : i32
      %ge3A_170 = vector.broadcast %ge3A_169 : i32 to vector<16xi32>
      %ge3A_171 = arith.cmpi sge, %sub3A_168, %ge3A_170 : vector<16xi32>
      %lt3A_172 = arith.constant 64 : i32
      %lt3A_173 = vector.broadcast %lt3A_172 : i32 to vector<16xi32>
      %lt3A_174 = arith.cmpi slt, %sub3A_168, %lt3A_173 : vector<16xi32>
      %and3A_175 = arith.andi %ge3A_171, %lt3A_174 : vector<16xi1>
      %ne3A_176 = arith.cmpi ne, %shift_right_logical3A_163, %and3A_166 : vector<16xi32>
      %and3A_177 = arith.andi %and3A_175, %ne3A_176 : vector<16xi1>
      %and3A_178 = arith.constant 1023 : i32
      %and3A_179 = vector.broadcast %and3A_178 : i32 to vector<16xi32>
      %and3A_180 = arith.andi %and3A_166, %and3A_179 : vector<16xi32>
      %ge3A_181 = arith.constant 1024 : i32
      %ge3A_182 = vector.broadcast %ge3A_181 : i32 to vector<16xi32>
      %ge3A_183 = arith.cmpi sge, %and3A_166, %ge3A_182 : vector<16xi32>
      %jit3A_184 = arith.constant 65536 : i32
      %jit3A_185 = arith.constant 1 : i32
      %broadcast_in_dim3A_186 = vector.broadcast %jit3A_184 : i32 to vector<16xi32>
      %broadcast_in_dim3A_187 = vector.broadcast %jit3A_185 : i32 to vector<16xi32>
      %select_n3A_188 = arith.select %ge3A_183, %broadcast_in_dim3A_186, %broadcast_in_dim3A_187 : vector<16xi1>, vector<16xi32>
      tpu.vector_store_idx %arg5[%sub3A_168, %and3A_180], %select_n3A_188 masked %and3A_177 {add = true} : memref<64x1024xi32, #tpu.memory_space<vmem>>[vector<16xi32>, vector<16xi32>], vector<16xi32>, vector<16xi1>
      %scan3A_189 = arith.constant 4 : i32
      %scan3A_190 = arith.addi %scan3A_56, %scan3A_189 : i32
      %mul3A_191 = arith.constant 16 : i32
      %mul3A_192 = arith.muli %scan3A_190, %mul3A_191 : i32
      %get3A_193 = arith.constant 1 : i32
      %get3A_194 = arith.index_cast %get3A_193 : i32 to index
      %get3A_195 = arith.index_cast %mul3A_192 : i32 to index
      %get3A_196 = tpu.vector_load %arg6[%get3A_194, %get3A_195] {strides = array<i32>} : memref<2x16384xi32, #tpu.memory_space<vmem>>, vector<16xi32>,
      %shift_right_logical3A_197 = arith.constant 11 : i32
      %shift_right_logical3A_198 = vector.broadcast %shift_right_logical3A_197 : i32 to vector<16xi32>
      %shift_right_logical3A_199 = arith.shrui %get3A_196, %shift_right_logical3A_198 : vector<16xi32>
      %and3A_200 = arith.constant 2047 : i32
      %and3A_201 = vector.broadcast %and3A_200 : i32 to vector<16xi32>
      %and3A_202 = arith.andi %get3A_196, %and3A_201 : vector<16xi32>
      %sub3A_203 = vector.broadcast %mul3A_2 : i32 to vector<16xi32>
      %sub3A_204 = arith.subi %shift_right_logical3A_199, %sub3A_203 : vector<16xi32>
      %ge3A_205 = arith.constant 0 : i32
      %ge3A_206 = vector.broadcast %ge3A_205 : i32 to vector<16xi32>
      %ge3A_207 = arith.cmpi sge, %sub3A_204, %ge3A_206 : vector<16xi32>
      %lt3A_208 = arith.constant 64 : i32
      %lt3A_209 = vector.broadcast %lt3A_208 : i32 to vector<16xi32>
      %lt3A_210 = arith.cmpi slt, %sub3A_204, %lt3A_209 : vector<16xi32>
      %and3A_211 = arith.andi %ge3A_207, %lt3A_210 : vector<16xi1>
      %ne3A_212 = arith.cmpi ne, %shift_right_logical3A_199, %and3A_202 : vector<16xi32>
      %and3A_213 = arith.andi %and3A_211, %ne3A_212 : vector<16xi1>
      %and3A_214 = arith.constant 1023 : i32
      %and3A_215 = vector.broadcast %and3A_214 : i32 to vector<16xi32>
      %and3A_216 = arith.andi %and3A_202, %and3A_215 : vector<16xi32>
      %ge3A_217 = arith.constant 1024 : i32
      %ge3A_218 = vector.broadcast %ge3A_217 : i32 to vector<16xi32>
      %ge3A_219 = arith.cmpi sge, %and3A_202, %ge3A_218 : vector<16xi32>
      %jit3A_220 = arith.constant 65536 : i32
      %jit3A_221 = arith.constant 1 : i32
      %broadcast_in_dim3A_222 = vector.broadcast %jit3A_220 : i32 to vector<16xi32>
      %broadcast_in_dim3A_223 = vector.broadcast %jit3A_221 : i32 to vector<16xi32>
      %select_n3A_224 = arith.select %ge3A_219, %broadcast_in_dim3A_222, %broadcast_in_dim3A_223 : vector<16xi1>, vector<16xi32>
      tpu.vector_store_idx %arg5[%sub3A_204, %and3A_216], %select_n3A_224 masked %and3A_213 {add = true} : memref<64x1024xi32, #tpu.memory_space<vmem>>[vector<16xi32>, vector<16xi32>], vector<16xi32>, vector<16xi1>
      %scan3A_225 = arith.constant 5 : i32
      %scan3A_226 = arith.addi %scan3A_56, %scan3A_225 : i32
      %mul3A_227 = arith.constant 16 : i32
      %mul3A_228 = arith.muli %scan3A_226, %mul3A_227 : i32
      %get3A_229 = arith.constant 1 : i32
      %get3A_230 = arith.index_cast %get3A_229 : i32 to index
      %get3A_231 = arith.index_cast %mul3A_228 : i32 to index
      %get3A_232 = tpu.vector_load %arg6[%get3A_230, %get3A_231] {strides = array<i32>} : memref<2x16384xi32, #tpu.memory_space<vmem>>, vector<16xi32>,
      %shift_right_logical3A_233 = arith.constant 11 : i32
      %shift_right_logical3A_234 = vector.broadcast %shift_right_logical3A_233 : i32 to vector<16xi32>
      %shift_right_logical3A_235 = arith.shrui %get3A_232, %shift_right_logical3A_234 : vector<16xi32>
      %and3A_236 = arith.constant 2047 : i32
      %and3A_237 = vector.broadcast %and3A_236 : i32 to vector<16xi32>
      %and3A_238 = arith.andi %get3A_232, %and3A_237 : vector<16xi32>
      %sub3A_239 = vector.broadcast %mul3A_2 : i32 to vector<16xi32>
      %sub3A_240 = arith.subi %shift_right_logical3A_235, %sub3A_239 : vector<16xi32>
      %ge3A_241 = arith.constant 0 : i32
      %ge3A_242 = vector.broadcast %ge3A_241 : i32 to vector<16xi32>
      %ge3A_243 = arith.cmpi sge, %sub3A_240, %ge3A_242 : vector<16xi32>
      %lt3A_244 = arith.constant 64 : i32
      %lt3A_245 = vector.broadcast %lt3A_244 : i32 to vector<16xi32>
      %lt3A_246 = arith.cmpi slt, %sub3A_240, %lt3A_245 : vector<16xi32>
      %and3A_247 = arith.andi %ge3A_243, %lt3A_246 : vector<16xi1>
      %ne3A_248 = arith.cmpi ne, %shift_right_logical3A_235, %and3A_238 : vector<16xi32>
      %and3A_249 = arith.andi %and3A_247, %ne3A_248 : vector<16xi1>
      %and3A_250 = arith.constant 1023 : i32
      %and3A_251 = vector.broadcast %and3A_250 : i32 to vector<16xi32>
      %and3A_252 = arith.andi %and3A_238, %and3A_251 : vector<16xi32>
      %ge3A_253 = arith.constant 1024 : i32
      %ge3A_254 = vector.broadcast %ge3A_253 : i32 to vector<16xi32>
      %ge3A_255 = arith.cmpi sge, %and3A_238, %ge3A_254 : vector<16xi32>
      %jit3A_256 = arith.constant 65536 : i32
      %jit3A_257 = arith.constant 1 : i32
      %broadcast_in_dim3A_258 = vector.broadcast %jit3A_256 : i32 to vector<16xi32>
      %broadcast_in_dim3A_259 = vector.broadcast %jit3A_257 : i32 to vector<16xi32>
      %select_n3A_260 = arith.select %ge3A_255, %broadcast_in_dim3A_258, %broadcast_in_dim3A_259 : vector<16xi1>, vector<16xi32>
      tpu.vector_store_idx %arg5[%sub3A_240, %and3A_252], %select_n3A_260 masked %and3A_249 {add = true} : memref<64x1024xi32, #tpu.memory_space<vmem>>[vector<16xi32>, vector<16xi32>], vector<16xi32>, vector<16xi1>
      %scan3A_261 = arith.constant 6 : i32
      %scan3A_262 = arith.addi %scan3A_56, %scan3A_261 : i32
      %mul3A_263 = arith.constant 16 : i32
      %mul3A_264 = arith.muli %scan3A_262, %mul3A_263 : i32
      %get3A_265 = arith.constant 1 : i32
      %get3A_266 = arith.index_cast %get3A_265 : i32 to index
      %get3A_267 = arith.index_cast %mul3A_264 : i32 to index
      %get3A_268 = tpu.vector_load %arg6[%get3A_266, %get3A_267] {strides = array<i32>} : memref<2x16384xi32, #tpu.memory_space<vmem>>, vector<16xi32>,
      %shift_right_logical3A_269 = arith.constant 11 : i32
      %shift_right_logical3A_270 = vector.broadcast %shift_right_logical3A_269 : i32 to vector<16xi32>
      %shift_right_logical3A_271 = arith.shrui %get3A_268, %shift_right_logical3A_270 : vector<16xi32>
      %and3A_272 = arith.constant 2047 : i32
      %and3A_273 = vector.broadcast %and3A_272 : i32 to vector<16xi32>
      %and3A_274 = arith.andi %get3A_268, %and3A_273 : vector<16xi32>
      %sub3A_275 = vector.broadcast %mul3A_2 : i32 to vector<16xi32>
      %sub3A_276 = arith.subi %shift_right_logical3A_271, %sub3A_275 : vector<16xi32>
      %ge3A_277 = arith.constant 0 : i32
      %ge3A_278 = vector.broadcast %ge3A_277 : i32 to vector<16xi32>
      %ge3A_279 = arith.cmpi sge, %sub3A_276, %ge3A_278 : vector<16xi32>
      %lt3A_280 = arith.constant 64 : i32
      %lt3A_281 = vector.broadcast %lt3A_280 : i32 to vector<16xi32>
      %lt3A_282 = arith.cmpi slt, %sub3A_276, %lt3A_281 : vector<16xi32>
      %and3A_283 = arith.andi %ge3A_279, %lt3A_282 : vector<16xi1>
      %ne3A_284 = arith.cmpi ne, %shift_right_logical3A_271, %and3A_274 : vector<16xi32>
      %and3A_285 = arith.andi %and3A_283, %ne3A_284 : vector<16xi1>
      %and3A_286 = arith.constant 1023 : i32
      %and3A_287 = vector.broadcast %and3A_286 : i32 to vector<16xi32>
      %and3A_288 = arith.andi %and3A_274, %and3A_287 : vector<16xi32>
      %ge3A_289 = arith.constant 1024 : i32
      %ge3A_290 = vector.broadcast %ge3A_289 : i32 to vector<16xi32>
      %ge3A_291 = arith.cmpi sge, %and3A_274, %ge3A_290 : vector<16xi32>
      %jit3A_292 = arith.constant 65536 : i32
      %jit3A_293 = arith.constant 1 : i32
      %broadcast_in_dim3A_294 = vector.broadcast %jit3A_292 : i32 to vector<16xi32>
      %broadcast_in_dim3A_295 = vector.broadcast %jit3A_293 : i32 to vector<16xi32>
      %select_n3A_296 = arith.select %ge3A_291, %broadcast_in_dim3A_294, %broadcast_in_dim3A_295 : vector<16xi1>, vector<16xi32>
      tpu.vector_store_idx %arg5[%sub3A_276, %and3A_288], %select_n3A_296 masked %and3A_285 {add = true} : memref<64x1024xi32, #tpu.memory_space<vmem>>[vector<16xi32>, vector<16xi32>], vector<16xi32>, vector<16xi1>
      %scan3A_297 = arith.constant 7 : i32
      %scan3A_298 = arith.addi %scan3A_56, %scan3A_297 : i32
      %mul3A_299 = arith.constant 16 : i32
      %mul3A_300 = arith.muli %scan3A_298, %mul3A_299 : i32
      %get3A_301 = arith.constant 1 : i32
      %get3A_302 = arith.index_cast %get3A_301 : i32 to index
      %get3A_303 = arith.index_cast %mul3A_300 : i32 to index
      %get3A_304 = tpu.vector_load %arg6[%get3A_302, %get3A_303] {strides = array<i32>} : memref<2x16384xi32, #tpu.memory_space<vmem>>, vector<16xi32>,
      %shift_right_logical3A_305 = arith.constant 11 : i32
      %shift_right_logical3A_306 = vector.broadcast %shift_right_logical3A_305 : i32 to vector<16xi32>
      %shift_right_logical3A_307 = arith.shrui %get3A_304, %shift_right_logical3A_306 : vector<16xi32>
      %and3A_308 = arith.constant 2047 : i32
      %and3A_309 = vector.broadcast %and3A_308 : i32 to vector<16xi32>
      %and3A_310 = arith.andi %get3A_304, %and3A_309 : vector<16xi32>
      %sub3A_311 = vector.broadcast %mul3A_2 : i32 to vector<16xi32>
      %sub3A_312 = arith.subi %shift_right_logical3A_307, %sub3A_311 : vector<16xi32>
      %ge3A_313 = arith.constant 0 : i32
      %ge3A_314 = vector.broadcast %ge3A_313 : i32 to vector<16xi32>
      %ge3A_315 = arith.cmpi sge, %sub3A_312, %ge3A_314 : vector<16xi32>
      %lt3A_316 = arith.constant 64 : i32
      %lt3A_317 = vector.broadcast %lt3A_316 : i32 to vector<16xi32>
      %lt3A_318 = arith.cmpi slt, %sub3A_312, %lt3A_317 : vector<16xi32>
      %and3A_319 = arith.andi %ge3A_315, %lt3A_318 : vector<16xi1>
      %ne3A_320 = arith.cmpi ne, %shift_right_logical3A_307, %and3A_310 : vector<16xi32>
      %and3A_321 = arith.andi %and3A_319, %ne3A_320 : vector<16xi1>
      %and3A_322 = arith.constant 1023 : i32
      %and3A_323 = vector.broadcast %and3A_322 : i32 to vector<16xi32>
      %and3A_324 = arith.andi %and3A_310, %and3A_323 : vector<16xi32>
      %ge3A_325 = arith.constant 1024 : i32
      %ge3A_326 = vector.broadcast %ge3A_325 : i32 to vector<16xi32>
      %ge3A_327 = arith.cmpi sge, %and3A_310, %ge3A_326 : vector<16xi32>
      %jit3A_328 = arith.constant 65536 : i32
      %jit3A_329 = arith.constant 1 : i32
      %broadcast_in_dim3A_330 = vector.broadcast %jit3A_328 : i32 to vector<16xi32>
      %broadcast_in_dim3A_331 = vector.broadcast %jit3A_329 : i32 to vector<16xi32>
      %select_n3A_332 = arith.select %ge3A_327, %broadcast_in_dim3A_330, %broadcast_in_dim3A_331 : vector<16xi1>, vector<16xi32>
      tpu.vector_store_idx %arg5[%sub3A_312, %and3A_324], %select_n3A_332 masked %and3A_321 {add = true} : memref<64x1024xi32, #tpu.memory_space<vmem>>[vector<16xi32>, vector<16xi32>], vector<16xi32>, vector<16xi1>
    }
    %scan3A_55 = arith.constant 1024 : i32
    "tpu.region"() ({
      %run_scoped3A = tpu.sem_alloc : memref<!tpu.dma_semaphore, #tpu.memory_space<semaphore_mem>>
      %dma_start3A_56 = arith.constant 0 : i32
      %dma_start3A_57 = tpu.memref_slice %arg4[%mul3A_2, %dma_start3A_56] : memref<2048x1024xi32, #tpu.memory_space<hbm>> -> memref<64x1024xi32, #tpu.memory_space<hbm>>
      %dma_start3A_58 = arith.constant 0 : i32
      %dma_start3A_59 = tpu.memref_slice %arg4[%mul3A_2, %dma_start3A_58] : memref<2048x1024xi32, #tpu.memory_space<hbm>> -> memref<64x1024xi32, #tpu.memory_space<hbm>>
      tpu.enqueue_dma source(%arg5 : memref<64x1024xi32, #tpu.memory_space<vmem>>) target(%dma_start3A_59 : memref<64x1024xi32, #tpu.memory_space<hbm>>) target_semaphore(%run_scoped3A : memref<!tpu.dma_semaphore, #tpu.memory_space<semaphore_mem>>)
      %dma_wait3A_60 = arith.constant 0 : i32
      %dma_wait3A_61 = tpu.memref_slice %arg4[%mul3A_2, %dma_wait3A_60] : memref<2048x1024xi32, #tpu.memory_space<hbm>> -> memref<64x1024xi32, #tpu.memory_space<hbm>>
      %dma_wait3A_62 = arith.constant 0 : i32
      %dma_wait3A_63 = tpu.memref_slice %arg4[%mul3A_2, %dma_wait3A_62] : memref<2048x1024xi32, #tpu.memory_space<hbm>> -> memref<64x1024xi32, #tpu.memory_space<hbm>>
      tpu.wait_dma2 semaphore(%run_scoped3A : memref<!tpu.dma_semaphore, #tpu.memory_space<semaphore_mem>>) src(%arg5 : memref<64x1024xi32, #tpu.memory_space<vmem>>) dst(%dma_wait3A_63 : memref<64x1024xi32, #tpu.memory_space<hbm>>)
      tpu.yield
    }) : () -> ()
    return
  }
}

module attributes {stable_mosaic.version = 14 : i64} {
  func.func @body(%arg0: i32, %arg1: memref<4x128x128xf32, #tpu.memory_space<vmem>>, %arg2: memref<4x128x128xf32, #tpu.memory_space<vmem>>, %arg3: memref<4x128x128xbf16, #tpu.memory_space<vmem>>) attributes {dimension_semantics = [#tpu.dimension_semantics<arbitrary>], iteration_bounds = array<i64: 16>, scalar_prefetch = 0 : i64, scratch_operands = 0 : i64, tpu.core_type = #tpu.core_type<tc>, window_params = [{transform_indices = @transform_0, window_bounds = array<i64: 4, 128, 128>}, {transform_indices = @transform_1, window_bounds = array<i64: 4, 128, 128>}, {transform_indices = @transform_2, window_bounds = array<i64: 4, 128, 128>}]} {
    %iota3A = tpu.iota {dimensions = array<i32: 0>} : vector<128x128xi32>
    %iota3A_0 = tpu.iota {dimensions = array<i32: 1>} : vector<128x128xi32>
    %eq3A = arith.cmpi eq, %iota3A, %iota3A_0 : vector<128x128xi32>
    %get3A = arith.constant 0 : index
    %get3A_1 = arith.constant 0 : index
    %get3A_2 = arith.constant 0 : index
    %get3A_3 = vector.load %arg1[%get3A, %get3A_1, %get3A_2] : memref<4x128x128xf32, #tpu.memory_space<vmem>>, vector<1x128x128xf32>
    %get3A_4 = vector.shape_cast %get3A_3 : vector<1x128x128xf32> to vector<128x128xf32>
    %jit3A = arith.constant 0.000000e+00 : f32
    %broadcast_in_dim3A = vector.broadcast %jit3A : f32 to vector<128x128xf32>
    %select_n3A = arith.select %eq3A, %get3A_4, %broadcast_in_dim3A : vector<128x128xi1>, vector<128x128xf32>
    %reduce_sum3A = arith.constant dense<0.000000e+00> : vector<128xf32>
    %reduce_sum3A_5 = vector.multi_reduction <add>, %select_n3A, %reduce_sum3A [1] : vector<128x128xf32> to vector<128xf32>
    %broadcast_in_dim3A_6 = vector.shape_cast %reduce_sum3A_5 : vector<128xf32> to vector<128x1xf32>
    %get3A_7 = arith.constant 0 : index
    %get3A_8 = arith.constant 0 : index
    %get3A_9 = arith.constant 0 : index
    %get3A_10 = vector.load %arg2[%get3A_7, %get3A_8, %get3A_9] : memref<4x128x128xf32, #tpu.memory_space<vmem>>, vector<1x128x128xf32>
    %get3A_11 = vector.shape_cast %get3A_10 : vector<1x128x128xf32> to vector<128x128xf32>
    %mul3A = vector.broadcast %broadcast_in_dim3A_6 : vector<128x1xf32> to vector<128x128xf32>
    %mul3A_12 = arith.mulf %mul3A, %get3A_11 : vector<128x128xf32>
    %convert_element_type3A = arith.truncf %mul3A_12 : vector<128x128xf32> to vector<128x128xbf16>
    %swap3A = arith.constant 0 : index
    %swap3A_13 = arith.constant 0 : index
    %swap3A_14 = arith.constant 0 : index
    %swap3A_15 = vector.load %arg3[%swap3A, %swap3A_13, %swap3A_14] : memref<4x128x128xbf16, #tpu.memory_space<vmem>>, vector<1x128x128xbf16>
    %swap3A_16 = vector.shape_cast %swap3A_15 : vector<1x128x128xbf16> to vector<128x128xbf16>
    %swap3A_17 = vector.shape_cast %convert_element_type3A : vector<128x128xbf16> to vector<1x128x128xbf16>
    tpu.vector_store %arg3[%swap3A, %swap3A_13, %swap3A_14], %swap3A_17 {strides = array<i32>} : memref<4x128x128xbf16, #tpu.memory_space<vmem>>, vector<1x128x128xbf16>,
    %get3A_18 = arith.constant 1 : index
    %get3A_19 = arith.constant 0 : index
    %get3A_20 = arith.constant 0 : index
    %get3A_21 = vector.load %arg1[%get3A_18, %get3A_19, %get3A_20] : memref<4x128x128xf32, #tpu.memory_space<vmem>>, vector<1x128x128xf32>
    %get3A_22 = vector.shape_cast %get3A_21 : vector<1x128x128xf32> to vector<128x128xf32>
    %jit3A_23 = arith.constant 0.000000e+00 : f32
    %broadcast_in_dim3A_24 = vector.broadcast %jit3A_23 : f32 to vector<128x128xf32>
    %select_n3A_25 = arith.select %eq3A, %get3A_22, %broadcast_in_dim3A_24 : vector<128x128xi1>, vector<128x128xf32>
    %reduce_sum3A_26 = arith.constant dense<0.000000e+00> : vector<128xf32>
    %reduce_sum3A_27 = vector.multi_reduction <add>, %select_n3A_25, %reduce_sum3A_26 [1] : vector<128x128xf32> to vector<128xf32>
    %broadcast_in_dim3A_28 = vector.shape_cast %reduce_sum3A_27 : vector<128xf32> to vector<128x1xf32>
    %get3A_29 = arith.constant 1 : index
    %get3A_30 = arith.constant 0 : index
    %get3A_31 = arith.constant 0 : index
    %get3A_32 = vector.load %arg2[%get3A_29, %get3A_30, %get3A_31] : memref<4x128x128xf32, #tpu.memory_space<vmem>>, vector<1x128x128xf32>
    %get3A_33 = vector.shape_cast %get3A_32 : vector<1x128x128xf32> to vector<128x128xf32>
    %mul3A_34 = vector.broadcast %broadcast_in_dim3A_28 : vector<128x1xf32> to vector<128x128xf32>
    %mul3A_35 = arith.mulf %mul3A_34, %get3A_33 : vector<128x128xf32>
    %convert_element_type3A_36 = arith.truncf %mul3A_35 : vector<128x128xf32> to vector<128x128xbf16>
    %swap3A_37 = arith.constant 1 : index
    %swap3A_38 = arith.constant 0 : index
    %swap3A_39 = arith.constant 0 : index
    %swap3A_40 = vector.load %arg3[%swap3A_37, %swap3A_38, %swap3A_39] : memref<4x128x128xbf16, #tpu.memory_space<vmem>>, vector<1x128x128xbf16>
    %swap3A_41 = vector.shape_cast %swap3A_40 : vector<1x128x128xbf16> to vector<128x128xbf16>
    %swap3A_42 = vector.shape_cast %convert_element_type3A_36 : vector<128x128xbf16> to vector<1x128x128xbf16>
    tpu.vector_store %arg3[%swap3A_37, %swap3A_38, %swap3A_39], %swap3A_42 {strides = array<i32>} : memref<4x128x128xbf16, #tpu.memory_space<vmem>>, vector<1x128x128xbf16>,
    %get3A_43 = arith.constant 2 : index
    %get3A_44 = arith.constant 0 : index
    %get3A_45 = arith.constant 0 : index
    %get3A_46 = vector.load %arg1[%get3A_43, %get3A_44, %get3A_45] : memref<4x128x128xf32, #tpu.memory_space<vmem>>, vector<1x128x128xf32>
    %get3A_47 = vector.shape_cast %get3A_46 : vector<1x128x128xf32> to vector<128x128xf32>
    %jit3A_48 = arith.constant 0.000000e+00 : f32
    %broadcast_in_dim3A_49 = vector.broadcast %jit3A_48 : f32 to vector<128x128xf32>
    %select_n3A_50 = arith.select %eq3A, %get3A_47, %broadcast_in_dim3A_49 : vector<128x128xi1>, vector<128x128xf32>
    %reduce_sum3A_51 = arith.constant dense<0.000000e+00> : vector<128xf32>
    %reduce_sum3A_52 = vector.multi_reduction <add>, %select_n3A_50, %reduce_sum3A_51 [1] : vector<128x128xf32> to vector<128xf32>
    %broadcast_in_dim3A_53 = vector.shape_cast %reduce_sum3A_52 : vector<128xf32> to vector<128x1xf32>
    %get3A_54 = arith.constant 2 : index
    %get3A_55 = arith.constant 0 : index
    %get3A_56 = arith.constant 0 : index
    %get3A_57 = vector.load %arg2[%get3A_54, %get3A_55, %get3A_56] : memref<4x128x128xf32, #tpu.memory_space<vmem>>, vector<1x128x128xf32>
    %get3A_58 = vector.shape_cast %get3A_57 : vector<1x128x128xf32> to vector<128x128xf32>
    %mul3A_59 = vector.broadcast %broadcast_in_dim3A_53 : vector<128x1xf32> to vector<128x128xf32>
    %mul3A_60 = arith.mulf %mul3A_59, %get3A_58 : vector<128x128xf32>
    %convert_element_type3A_61 = arith.truncf %mul3A_60 : vector<128x128xf32> to vector<128x128xbf16>
    %swap3A_62 = arith.constant 2 : index
    %swap3A_63 = arith.constant 0 : index
    %swap3A_64 = arith.constant 0 : index
    %swap3A_65 = vector.load %arg3[%swap3A_62, %swap3A_63, %swap3A_64] : memref<4x128x128xbf16, #tpu.memory_space<vmem>>, vector<1x128x128xbf16>
    %swap3A_66 = vector.shape_cast %swap3A_65 : vector<1x128x128xbf16> to vector<128x128xbf16>
    %swap3A_67 = vector.shape_cast %convert_element_type3A_61 : vector<128x128xbf16> to vector<1x128x128xbf16>
    tpu.vector_store %arg3[%swap3A_62, %swap3A_63, %swap3A_64], %swap3A_67 {strides = array<i32>} : memref<4x128x128xbf16, #tpu.memory_space<vmem>>, vector<1x128x128xbf16>,
    %get3A_68 = arith.constant 3 : index
    %get3A_69 = arith.constant 0 : index
    %get3A_70 = arith.constant 0 : index
    %get3A_71 = vector.load %arg1[%get3A_68, %get3A_69, %get3A_70] : memref<4x128x128xf32, #tpu.memory_space<vmem>>, vector<1x128x128xf32>
    %get3A_72 = vector.shape_cast %get3A_71 : vector<1x128x128xf32> to vector<128x128xf32>
    %jit3A_73 = arith.constant 0.000000e+00 : f32
    %broadcast_in_dim3A_74 = vector.broadcast %jit3A_73 : f32 to vector<128x128xf32>
    %select_n3A_75 = arith.select %eq3A, %get3A_72, %broadcast_in_dim3A_74 : vector<128x128xi1>, vector<128x128xf32>
    %reduce_sum3A_76 = arith.constant dense<0.000000e+00> : vector<128xf32>
    %reduce_sum3A_77 = vector.multi_reduction <add>, %select_n3A_75, %reduce_sum3A_76 [1] : vector<128x128xf32> to vector<128xf32>
    %broadcast_in_dim3A_78 = vector.shape_cast %reduce_sum3A_77 : vector<128xf32> to vector<128x1xf32>
    %get3A_79 = arith.constant 3 : index
    %get3A_80 = arith.constant 0 : index
    %get3A_81 = arith.constant 0 : index
    %get3A_82 = vector.load %arg2[%get3A_79, %get3A_80, %get3A_81] : memref<4x128x128xf32, #tpu.memory_space<vmem>>, vector<1x128x128xf32>
    %get3A_83 = vector.shape_cast %get3A_82 : vector<1x128x128xf32> to vector<128x128xf32>
    %mul3A_84 = vector.broadcast %broadcast_in_dim3A_78 : vector<128x1xf32> to vector<128x128xf32>
    %mul3A_85 = arith.mulf %mul3A_84, %get3A_83 : vector<128x128xf32>
    %convert_element_type3A_86 = arith.truncf %mul3A_85 : vector<128x128xf32> to vector<128x128xbf16>
    %swap3A_87 = arith.constant 3 : index
    %swap3A_88 = arith.constant 0 : index
    %swap3A_89 = arith.constant 0 : index
    %swap3A_90 = vector.load %arg3[%swap3A_87, %swap3A_88, %swap3A_89] : memref<4x128x128xbf16, #tpu.memory_space<vmem>>, vector<1x128x128xbf16>
    %swap3A_91 = vector.shape_cast %swap3A_90 : vector<1x128x128xbf16> to vector<128x128xbf16>
    %swap3A_92 = vector.shape_cast %convert_element_type3A_86 : vector<128x128xbf16> to vector<1x128x128xbf16>
    tpu.vector_store %arg3[%swap3A_87, %swap3A_88, %swap3A_89], %swap3A_92 {strides = array<i32>} : memref<4x128x128xbf16, #tpu.memory_space<vmem>>, vector<1x128x128xbf16>,
    return
  }
  func.func @transform_0(%arg0: i32) -> (i32, i32, i32) {
    %c0_i32 = arith.constant 0 : i32
    %c0_i32_0 = arith.constant 0 : i32
    return %c0_i32, %arg0, %arg0 : i32, i32, i32
  }
  func.func @transform_1(%arg0: i32) -> (i32, i32, i32) {
    %c0_i32 = arith.constant 0 : i32
    %c0_i32_0 = arith.constant 0 : i32
    %c0_i32_1 = arith.constant 0 : i32
    return %c0_i32, %arg0, %c0_i32_0 : i32, i32, i32
  }
  func.func @transform_2(%arg0: i32) -> (i32, i32, i32) {
    %c0_i32 = arith.constant 0 : i32
    %c0_i32_0 = arith.constant 0 : i32
    %c0_i32_1 = arith.constant 0 : i32
    return %c0_i32, %arg0, %c0_i32_0 : i32, i32, i32
  }
}

module attributes {stable_mosaic.version = 14 : i64} {
  func.func @body(%arg0: i32, %arg1: i32, %arg2: memref<4x512x512xf32, #tpu.memory_space<vmem>>, %arg3: memref<4x512x512xf32, #tpu.memory_space<vmem>>, %arg4: memref<512x512xi32, #tpu.memory_space<vmem>>, %arg5: memref<4x2048x128xbf16, #tpu.memory_space<vmem>>, %arg6: memref<1x512x128xf32, #tpu.memory_space<vmem>>, %arg7: memref<1x512x128xf32, #tpu.memory_space<vmem>>, %arg8: memref<1x512x128xf32, #tpu.memory_space<vmem>>, %arg9: memref<1x512x128xf32, #tpu.memory_space<vmem>>, %arg10: memref<4x512x128xbf16, #tpu.memory_space<vmem>>, %arg11: memref<512x512xbf16, #tpu.memory_space<vmem>>, %arg12: memref<4x512x128xf32, #tpu.memory_space<vmem>>) attributes {dimension_semantics = [#tpu.dimension_semantics<arbitrary>, #tpu.dimension_semantics<arbitrary>], iteration_bounds = array<i64: 4, 2>, scalar_prefetch = 0 : i64, scratch_operands = 1 : i64, tpu.core_type = #tpu.core_type<tc>, window_params = [{transform_indices = @transform_0, window_bounds = array<i64: 4, 512, 512>}, {transform_indices = @transform_1, window_bounds = array<i64: 4, 512, 512>}, {transform_indices = @transform_2, window_bounds = array<i64: 512, 512>}, {pipeline_mode = #tpu.pipeline_mode<synchronous>, transform_indices = @transform_3, window_bounds = array<i64: 4, 2048, 128>}, {transform_indices = @transform_4, window_bounds = array<i64: 1, 512, 128>}, {transform_indices = @transform_5, window_bounds = array<i64: 1, 512, 128>}, {transform_indices = @transform_6, window_bounds = array<i64: 1, 512, 128>}, {transform_indices = @transform_7, window_bounds = array<i64: 1, 512, 128>}, {transform_indices = @transform_8, window_bounds = array<i64: 4, 512, 128>}, {transform_indices = @transform_9, window_bounds = array<i64: 512, 512>}]} {
    %eq3A = arith.constant 0 : i32
    %eq3A_0 = arith.cmpi eq, %arg1, %eq3A : i32
    %convert_element_type3A = arith.extui %eq3A_0 : i1 to i32
    %cond3A = arith.constant 0 : i32
    %cond3A_1 = arith.cmpi ne, %convert_element_type3A, %cond3A : i32
    scf.if %cond3A_1 {
      %broadcast_in_dim3A = arith.constant 0.000000e+00 : f32
      %broadcast_in_dim3A_233 = vector.broadcast %broadcast_in_dim3A : f32 to vector<4x512x128xf32>
      %swap3A_234 = arith.constant 0 : index
      %swap3A_235 = arith.constant 0 : index
      %swap3A_236 = arith.constant 0 : index
      %swap3A_237 = vector.load %arg12[%swap3A_234, %swap3A_235, %swap3A_236] : memref<4x512x128xf32, #tpu.memory_space<vmem>>, vector<4x512x128xf32>
      tpu.vector_store %arg12[%swap3A_234, %swap3A_235, %swap3A_236], %broadcast_in_dim3A_233 {strides = array<i32>} : memref<4x512x128xf32, #tpu.memory_space<vmem>>, vector<4x512x128xf32>,
    } else {
    }
    %get3A = arith.constant 0 : index
    %get3A_2 = arith.constant 0 : index
    %get3A_3 = vector.load %arg4[%get3A, %get3A_2] : memref<512x512xi32, #tpu.memory_space<vmem>>, vector<512x512xi32>
    %and3A = arith.constant 65535 : i32
    %and3A_4 = vector.broadcast %and3A : i32 to vector<512x512xi32>
    %and3A_5 = arith.andi %get3A_3, %and3A_4 : vector<512x512xi32>
    %convert_element_type3A_6 = arith.sitofp %and3A_5 : vector<512x512xi32> to vector<512x512xf32>
    %shift_right_logical3A = arith.constant 16 : i32
    %shift_right_logical3A_7 = vector.broadcast %shift_right_logical3A : i32 to vector<512x512xi32>
    %shift_right_logical3A_8 = arith.shrui %get3A_3, %shift_right_logical3A_7 : vector<512x512xi32>
    %convert_element_type3A_9 = arith.sitofp %shift_right_logical3A_8 : vector<512x512xi32> to vector<512x512xf32>
    %get3A_10 = arith.constant 0 : index
    %get3A_11 = arith.constant 0 : index
    %get3A_12 = arith.constant 0 : index
    %get3A_13 = vector.load %arg6[%get3A_10, %get3A_11, %get3A_12] : memref<1x512x128xf32, #tpu.memory_space<vmem>>, vector<1x512x128xf32>
    %get3A_14 = vector.shape_cast %get3A_13 : vector<1x512x128xf32> to vector<512x128xf32>
    %get3A_15 = arith.constant 0 : index
    %get3A_16 = arith.constant 0 : index
    %get3A_17 = arith.constant 0 : index
    %get3A_18 = vector.load %arg7[%get3A_15, %get3A_16, %get3A_17] : memref<1x512x128xf32, #tpu.memory_space<vmem>>, vector<1x512x128xf32>
    %get3A_19 = vector.shape_cast %get3A_18 : vector<1x512x128xf32> to vector<512x128xf32>
    %get3A_20 = arith.constant 0 : index
    %get3A_21 = arith.constant 0 : index
    %get3A_22 = arith.constant 0 : index
    %get3A_23 = vector.load %arg2[%get3A_20, %get3A_21, %get3A_22] : memref<4x512x512xf32, #tpu.memory_space<vmem>>, vector<1x512x512xf32>
    %get3A_24 = vector.shape_cast %get3A_23 : vector<1x512x512xf32> to vector<512x512xf32>
    %mul3A = arith.mulf %get3A_24, %convert_element_type3A_6 : vector<512x512xf32>
    %convert_element_type3A_25 = arith.truncf %mul3A : vector<512x512xf32> to vector<512x512xbf16>
    %get3A_26 = arith.constant 0 : index
    %get3A_27 = arith.constant 0 : index
    %get3A_28 = arith.constant 0 : index
    %get3A_29 = vector.load %arg3[%get3A_26, %get3A_27, %get3A_28] : memref<4x512x512xf32, #tpu.memory_space<vmem>>, vector<1x512x512xf32>
    %get3A_30 = vector.shape_cast %get3A_29 : vector<1x512x512xf32> to vector<512x512xf32>
    %mul3A_31 = arith.mulf %get3A_30, %convert_element_type3A_9 : vector<512x512xf32>
    %convert_element_type3A_32 = arith.truncf %mul3A_31 : vector<512x512xf32> to vector<512x512xbf16>
    %mul3A_33 = arith.constant 512 : i32
    %mul3A_34 = arith.muli %arg1, %mul3A_33 : i32
    %get3A_35 = arith.constant 0 : index
    %get3A_36 = arith.index_cast %mul3A_34 : i32 to index
    %get3A_37 = arith.constant 0 : index
    %get3A_38 = vector.load %arg5[%get3A_35, %get3A_36, %get3A_37] : memref<4x2048x128xbf16, #tpu.memory_space<vmem>>, vector<1x512x128xbf16>
    %get3A_39 = vector.shape_cast %get3A_38 : vector<1x512x128xbf16> to vector<512x128xbf16>
    %convert_element_type3A_40 = arith.extf %get3A_39 : vector<512x128xbf16> to vector<512x128xf32>
    %mul3A_41 = arith.mulf %convert_element_type3A_40, %get3A_14 : vector<512x128xf32>
    %convert_element_type3A_42 = arith.truncf %mul3A_41 : vector<512x128xf32> to vector<512x128xbf16>
    %add3A = arith.constant 2 : i32
    %add3A_43 = arith.addi %add3A, %arg1 : i32
    %mul3A_44 = arith.constant 512 : i32
    %mul3A_45 = arith.muli %add3A_43, %mul3A_44 : i32
    %get3A_46 = arith.constant 0 : index
    %get3A_47 = arith.index_cast %mul3A_45 : i32 to index
    %get3A_48 = arith.constant 0 : index
    %get3A_49 = vector.load %arg5[%get3A_46, %get3A_47, %get3A_48] : memref<4x2048x128xbf16, #tpu.memory_space<vmem>>, vector<1x512x128xbf16>
    %get3A_50 = vector.shape_cast %get3A_49 : vector<1x512x128xbf16> to vector<512x128xbf16>
    %convert_element_type3A_51 = arith.extf %get3A_50 : vector<512x128xbf16> to vector<512x128xf32>
    %mul3A_52 = arith.mulf %convert_element_type3A_51, %get3A_19 : vector<512x128xf32>
    %convert_element_type3A_53 = arith.truncf %mul3A_52 : vector<512x128xf32> to vector<512x128xbf16>
    %get3A_54 = arith.constant 0 : index
    %get3A_55 = arith.constant 0 : index
    %get3A_56 = arith.constant 0 : index
    %get3A_57 = vector.load %arg12[%get3A_54, %get3A_55, %get3A_56] : memref<4x512x128xf32, #tpu.memory_space<vmem>>, vector<1x512x128xf32>
    %get3A_58 = vector.shape_cast %get3A_57 : vector<1x512x128xf32> to vector<512x128xf32>
    %dot_general3A = arith.constant dense<0.000000e+00> : vector<512x128xf32>
    %dot_general3A_59 = tpu.matmul %convert_element_type3A_25, %convert_element_type3A_42, %dot_general3A {dimension_numbers = #tpu.dot_dimension_numbers<[1], [0], [0], [1], [0, 0, 1, 1], [], []>, transpose_lhs_hint = false} : vector<512x512xbf16>, vector<512x128xbf16>, vector<512x128xf32> -> vector<512x128xf32>
    %dot_general3A_60 = arith.constant dense<0.000000e+00> : vector<512x128xf32>
    %dot_general3A_61 = tpu.matmul %convert_element_type3A_32, %convert_element_type3A_53, %dot_general3A_60 {dimension_numbers = #tpu.dot_dimension_numbers<[1], [0], [0], [1], [0, 0, 1, 1], [], []>, transpose_lhs_hint = false} : vector<512x512xbf16>, vector<512x128xbf16>, vector<512x128xf32> -> vector<512x128xf32>
    %add3A_62 = arith.addf %dot_general3A_59, %dot_general3A_61 : vector<512x128xf32>
    %add3A_63 = arith.addf %get3A_58, %add3A_62 : vector<512x128xf32>
    %swap3A = arith.constant 0 : index
    %swap3A_64 = arith.constant 0 : index
    %swap3A_65 = arith.constant 0 : index
    %swap3A_66 = vector.load %arg12[%swap3A, %swap3A_64, %swap3A_65] : memref<4x512x128xf32, #tpu.memory_space<vmem>>, vector<1x512x128xf32>
    %swap3A_67 = vector.shape_cast %swap3A_66 : vector<1x512x128xf32> to vector<512x128xf32>
    %swap3A_68 = vector.shape_cast %add3A_63 : vector<512x128xf32> to vector<1x512x128xf32>
    tpu.vector_store %arg12[%swap3A, %swap3A_64, %swap3A_65], %swap3A_68 {strides = array<i32>} : memref<4x512x128xf32, #tpu.memory_space<vmem>>, vector<1x512x128xf32>,
    %get3A_69 = arith.constant 1 : index
    %get3A_70 = arith.constant 0 : index
    %get3A_71 = arith.constant 0 : index
    %get3A_72 = vector.load %arg2[%get3A_69, %get3A_70, %get3A_71] : memref<4x512x512xf32, #tpu.memory_space<vmem>>, vector<1x512x512xf32>
    %get3A_73 = vector.shape_cast %get3A_72 : vector<1x512x512xf32> to vector<512x512xf32>
    %mul3A_74 = arith.mulf %get3A_73, %convert_element_type3A_6 : vector<512x512xf32>
    %convert_element_type3A_75 = arith.truncf %mul3A_74 : vector<512x512xf32> to vector<512x512xbf16>
    %get3A_76 = arith.constant 1 : index
    %get3A_77 = arith.constant 0 : index
    %get3A_78 = arith.constant 0 : index
    %get3A_79 = vector.load %arg3[%get3A_76, %get3A_77, %get3A_78] : memref<4x512x512xf32, #tpu.memory_space<vmem>>, vector<1x512x512xf32>
    %get3A_80 = vector.shape_cast %get3A_79 : vector<1x512x512xf32> to vector<512x512xf32>
    %mul3A_81 = arith.mulf %get3A_80, %convert_element_type3A_9 : vector<512x512xf32>
    %convert_element_type3A_82 = arith.truncf %mul3A_81 : vector<512x512xf32> to vector<512x512xbf16>
    %mul3A_83 = arith.constant 512 : i32
    %mul3A_84 = arith.muli %arg1, %mul3A_83 : i32
    %get3A_85 = arith.constant 1 : index
    %get3A_86 = arith.index_cast %mul3A_84 : i32 to index
    %get3A_87 = arith.constant 0 : index
    %get3A_88 = vector.load %arg5[%get3A_85, %get3A_86, %get3A_87] : memref<4x2048x128xbf16, #tpu.memory_space<vmem>>, vector<1x512x128xbf16>
    %get3A_89 = vector.shape_cast %get3A_88 : vector<1x512x128xbf16> to vector<512x128xbf16>
    %convert_element_type3A_90 = arith.extf %get3A_89 : vector<512x128xbf16> to vector<512x128xf32>
    %mul3A_91 = arith.mulf %convert_element_type3A_90, %get3A_14 : vector<512x128xf32>
    %convert_element_type3A_92 = arith.truncf %mul3A_91 : vector<512x128xf32> to vector<512x128xbf16>
    %add3A_93 = arith.constant 2 : i32
    %add3A_94 = arith.addi %add3A_93, %arg1 : i32
    %mul3A_95 = arith.constant 512 : i32
    %mul3A_96 = arith.muli %add3A_94, %mul3A_95 : i32
    %get3A_97 = arith.constant 1 : index
    %get3A_98 = arith.index_cast %mul3A_96 : i32 to index
    %get3A_99 = arith.constant 0 : index
    %get3A_100 = vector.load %arg5[%get3A_97, %get3A_98, %get3A_99] : memref<4x2048x128xbf16, #tpu.memory_space<vmem>>, vector<1x512x128xbf16>
    %get3A_101 = vector.shape_cast %get3A_100 : vector<1x512x128xbf16> to vector<512x128xbf16>
    %convert_element_type3A_102 = arith.extf %get3A_101 : vector<512x128xbf16> to vector<512x128xf32>
    %mul3A_103 = arith.mulf %convert_element_type3A_102, %get3A_19 : vector<512x128xf32>
    %convert_element_type3A_104 = arith.truncf %mul3A_103 : vector<512x128xf32> to vector<512x128xbf16>
    %get3A_105 = arith.constant 1 : index
    %get3A_106 = arith.constant 0 : index
    %get3A_107 = arith.constant 0 : index
    %get3A_108 = vector.load %arg12[%get3A_105, %get3A_106, %get3A_107] : memref<4x512x128xf32, #tpu.memory_space<vmem>>, vector<1x512x128xf32>
    %get3A_109 = vector.shape_cast %get3A_108 : vector<1x512x128xf32> to vector<512x128xf32>
    %dot_general3A_110 = arith.constant dense<0.000000e+00> : vector<512x128xf32>
    %dot_general3A_111 = tpu.matmul %convert_element_type3A_75, %convert_element_type3A_92, %dot_general3A_110 {dimension_numbers = #tpu.dot_dimension_numbers<[1], [0], [0], [1], [0, 0, 1, 1], [], []>, transpose_lhs_hint = false} : vector<512x512xbf16>, vector<512x128xbf16>, vector<512x128xf32> -> vector<512x128xf32>
    %dot_general3A_112 = arith.constant dense<0.000000e+00> : vector<512x128xf32>
    %dot_general3A_113 = tpu.matmul %convert_element_type3A_82, %convert_element_type3A_104, %dot_general3A_112 {dimension_numbers = #tpu.dot_dimension_numbers<[1], [0], [0], [1], [0, 0, 1, 1], [], []>, transpose_lhs_hint = false} : vector<512x512xbf16>, vector<512x128xbf16>, vector<512x128xf32> -> vector<512x128xf32>
    %add3A_114 = arith.addf %dot_general3A_111, %dot_general3A_113 : vector<512x128xf32>
    %add3A_115 = arith.addf %get3A_109, %add3A_114 : vector<512x128xf32>
    %swap3A_116 = arith.constant 1 : index
    %swap3A_117 = arith.constant 0 : index
    %swap3A_118 = arith.constant 0 : index
    %swap3A_119 = vector.load %arg12[%swap3A_116, %swap3A_117, %swap3A_118] : memref<4x512x128xf32, #tpu.memory_space<vmem>>, vector<1x512x128xf32>
    %swap3A_120 = vector.shape_cast %swap3A_119 : vector<1x512x128xf32> to vector<512x128xf32>
    %swap3A_121 = vector.shape_cast %add3A_115 : vector<512x128xf32> to vector<1x512x128xf32>
    tpu.vector_store %arg12[%swap3A_116, %swap3A_117, %swap3A_118], %swap3A_121 {strides = array<i32>} : memref<4x512x128xf32, #tpu.memory_space<vmem>>, vector<1x512x128xf32>,
    %get3A_122 = arith.constant 2 : index
    %get3A_123 = arith.constant 0 : index
    %get3A_124 = arith.constant 0 : index
    %get3A_125 = vector.load %arg2[%get3A_122, %get3A_123, %get3A_124] : memref<4x512x512xf32, #tpu.memory_space<vmem>>, vector<1x512x512xf32>
    %get3A_126 = vector.shape_cast %get3A_125 : vector<1x512x512xf32> to vector<512x512xf32>
    %mul3A_127 = arith.mulf %get3A_126, %convert_element_type3A_6 : vector<512x512xf32>
    %convert_element_type3A_128 = arith.truncf %mul3A_127 : vector<512x512xf32> to vector<512x512xbf16>
    %get3A_129 = arith.constant 2 : index
    %get3A_130 = arith.constant 0 : index
    %get3A_131 = arith.constant 0 : index
    %get3A_132 = vector.load %arg3[%get3A_129, %get3A_130, %get3A_131] : memref<4x512x512xf32, #tpu.memory_space<vmem>>, vector<1x512x512xf32>
    %get3A_133 = vector.shape_cast %get3A_132 : vector<1x512x512xf32> to vector<512x512xf32>
    %mul3A_134 = arith.mulf %get3A_133, %convert_element_type3A_9 : vector<512x512xf32>
    %convert_element_type3A_135 = arith.truncf %mul3A_134 : vector<512x512xf32> to vector<512x512xbf16>
    %mul3A_136 = arith.constant 512 : i32
    %mul3A_137 = arith.muli %arg1, %mul3A_136 : i32
    %get3A_138 = arith.constant 2 : index
    %get3A_139 = arith.index_cast %mul3A_137 : i32 to index
    %get3A_140 = arith.constant 0 : index
    %get3A_141 = vector.load %arg5[%get3A_138, %get3A_139, %get3A_140] : memref<4x2048x128xbf16, #tpu.memory_space<vmem>>, vector<1x512x128xbf16>
    %get3A_142 = vector.shape_cast %get3A_141 : vector<1x512x128xbf16> to vector<512x128xbf16>
    %convert_element_type3A_143 = arith.extf %get3A_142 : vector<512x128xbf16> to vector<512x128xf32>
    %mul3A_144 = arith.mulf %convert_element_type3A_143, %get3A_14 : vector<512x128xf32>
    %convert_element_type3A_145 = arith.truncf %mul3A_144 : vector<512x128xf32> to vector<512x128xbf16>
    %add3A_146 = arith.constant 2 : i32
    %add3A_147 = arith.addi %add3A_146, %arg1 : i32
    %mul3A_148 = arith.constant 512 : i32
    %mul3A_149 = arith.muli %add3A_147, %mul3A_148 : i32
    %get3A_150 = arith.constant 2 : index
    %get3A_151 = arith.index_cast %mul3A_149 : i32 to index
    %get3A_152 = arith.constant 0 : index
    %get3A_153 = vector.load %arg5[%get3A_150, %get3A_151, %get3A_152] : memref<4x2048x128xbf16, #tpu.memory_space<vmem>>, vector<1x512x128xbf16>
    %get3A_154 = vector.shape_cast %get3A_153 : vector<1x512x128xbf16> to vector<512x128xbf16>
    %convert_element_type3A_155 = arith.extf %get3A_154 : vector<512x128xbf16> to vector<512x128xf32>
    %mul3A_156 = arith.mulf %convert_element_type3A_155, %get3A_19 : vector<512x128xf32>
    %convert_element_type3A_157 = arith.truncf %mul3A_156 : vector<512x128xf32> to vector<512x128xbf16>
    %get3A_158 = arith.constant 2 : index
    %get3A_159 = arith.constant 0 : index
    %get3A_160 = arith.constant 0 : index
    %get3A_161 = vector.load %arg12[%get3A_158, %get3A_159, %get3A_160] : memref<4x512x128xf32, #tpu.memory_space<vmem>>, vector<1x512x128xf32>
    %get3A_162 = vector.shape_cast %get3A_161 : vector<1x512x128xf32> to vector<512x128xf32>
    %dot_general3A_163 = arith.constant dense<0.000000e+00> : vector<512x128xf32>
    %dot_general3A_164 = tpu.matmul %convert_element_type3A_128, %convert_element_type3A_145, %dot_general3A_163 {dimension_numbers = #tpu.dot_dimension_numbers<[1], [0], [0], [1], [0, 0, 1, 1], [], []>, transpose_lhs_hint = false} : vector<512x512xbf16>, vector<512x128xbf16>, vector<512x128xf32> -> vector<512x128xf32>
    %dot_general3A_165 = arith.constant dense<0.000000e+00> : vector<512x128xf32>
    %dot_general3A_166 = tpu.matmul %convert_element_type3A_135, %convert_element_type3A_157, %dot_general3A_165 {dimension_numbers = #tpu.dot_dimension_numbers<[1], [0], [0], [1], [0, 0, 1, 1], [], []>, transpose_lhs_hint = false} : vector<512x512xbf16>, vector<512x128xbf16>, vector<512x128xf32> -> vector<512x128xf32>
    %add3A_167 = arith.addf %dot_general3A_164, %dot_general3A_166 : vector<512x128xf32>
    %add3A_168 = arith.addf %get3A_162, %add3A_167 : vector<512x128xf32>
    %swap3A_169 = arith.constant 2 : index
    %swap3A_170 = arith.constant 0 : index
    %swap3A_171 = arith.constant 0 : index
    %swap3A_172 = vector.load %arg12[%swap3A_169, %swap3A_170, %swap3A_171] : memref<4x512x128xf32, #tpu.memory_space<vmem>>, vector<1x512x128xf32>
    %swap3A_173 = vector.shape_cast %swap3A_172 : vector<1x512x128xf32> to vector<512x128xf32>
    %swap3A_174 = vector.shape_cast %add3A_168 : vector<512x128xf32> to vector<1x512x128xf32>
    tpu.vector_store %arg12[%swap3A_169, %swap3A_170, %swap3A_171], %swap3A_174 {strides = array<i32>} : memref<4x512x128xf32, #tpu.memory_space<vmem>>, vector<1x512x128xf32>,
    %get3A_175 = arith.constant 3 : index
    %get3A_176 = arith.constant 0 : index
    %get3A_177 = arith.constant 0 : index
    %get3A_178 = vector.load %arg2[%get3A_175, %get3A_176, %get3A_177] : memref<4x512x512xf32, #tpu.memory_space<vmem>>, vector<1x512x512xf32>
    %get3A_179 = vector.shape_cast %get3A_178 : vector<1x512x512xf32> to vector<512x512xf32>
    %mul3A_180 = arith.mulf %get3A_179, %convert_element_type3A_6 : vector<512x512xf32>
    %convert_element_type3A_181 = arith.truncf %mul3A_180 : vector<512x512xf32> to vector<512x512xbf16>
    %get3A_182 = arith.constant 3 : index
    %get3A_183 = arith.constant 0 : index
    %get3A_184 = arith.constant 0 : index
    %get3A_185 = vector.load %arg3[%get3A_182, %get3A_183, %get3A_184] : memref<4x512x512xf32, #tpu.memory_space<vmem>>, vector<1x512x512xf32>
    %get3A_186 = vector.shape_cast %get3A_185 : vector<1x512x512xf32> to vector<512x512xf32>
    %mul3A_187 = arith.mulf %get3A_186, %convert_element_type3A_9 : vector<512x512xf32>
    %convert_element_type3A_188 = arith.truncf %mul3A_187 : vector<512x512xf32> to vector<512x512xbf16>
    %mul3A_189 = arith.constant 512 : i32
    %mul3A_190 = arith.muli %arg1, %mul3A_189 : i32
    %get3A_191 = arith.constant 3 : index
    %get3A_192 = arith.index_cast %mul3A_190 : i32 to index
    %get3A_193 = arith.constant 0 : index
    %get3A_194 = vector.load %arg5[%get3A_191, %get3A_192, %get3A_193] : memref<4x2048x128xbf16, #tpu.memory_space<vmem>>, vector<1x512x128xbf16>
    %get3A_195 = vector.shape_cast %get3A_194 : vector<1x512x128xbf16> to vector<512x128xbf16>
    %convert_element_type3A_196 = arith.extf %get3A_195 : vector<512x128xbf16> to vector<512x128xf32>
    %mul3A_197 = arith.mulf %convert_element_type3A_196, %get3A_14 : vector<512x128xf32>
    %convert_element_type3A_198 = arith.truncf %mul3A_197 : vector<512x128xf32> to vector<512x128xbf16>
    %add3A_199 = arith.constant 2 : i32
    %add3A_200 = arith.addi %add3A_199, %arg1 : i32
    %mul3A_201 = arith.constant 512 : i32
    %mul3A_202 = arith.muli %add3A_200, %mul3A_201 : i32
    %get3A_203 = arith.constant 3 : index
    %get3A_204 = arith.index_cast %mul3A_202 : i32 to index
    %get3A_205 = arith.constant 0 : index
    %get3A_206 = vector.load %arg5[%get3A_203, %get3A_204, %get3A_205] : memref<4x2048x128xbf16, #tpu.memory_space<vmem>>, vector<1x512x128xbf16>
    %get3A_207 = vector.shape_cast %get3A_206 : vector<1x512x128xbf16> to vector<512x128xbf16>
    %convert_element_type3A_208 = arith.extf %get3A_207 : vector<512x128xbf16> to vector<512x128xf32>
    %mul3A_209 = arith.mulf %convert_element_type3A_208, %get3A_19 : vector<512x128xf32>
    %convert_element_type3A_210 = arith.truncf %mul3A_209 : vector<512x128xf32> to vector<512x128xbf16>
    %get3A_211 = arith.constant 3 : index
    %get3A_212 = arith.constant 0 : index
    %get3A_213 = arith.constant 0 : index
    %get3A_214 = vector.load %arg12[%get3A_211, %get3A_212, %get3A_213] : memref<4x512x128xf32, #tpu.memory_space<vmem>>, vector<1x512x128xf32>
    %get3A_215 = vector.shape_cast %get3A_214 : vector<1x512x128xf32> to vector<512x128xf32>
    %dot_general3A_216 = arith.constant dense<0.000000e+00> : vector<512x128xf32>
    %dot_general3A_217 = tpu.matmul %convert_element_type3A_181, %convert_element_type3A_198, %dot_general3A_216 {dimension_numbers = #tpu.dot_dimension_numbers<[1], [0], [0], [1], [0, 0, 1, 1], [], []>, transpose_lhs_hint = false} : vector<512x512xbf16>, vector<512x128xbf16>, vector<512x128xf32> -> vector<512x128xf32>
    %dot_general3A_218 = arith.constant dense<0.000000e+00> : vector<512x128xf32>
    %dot_general3A_219 = tpu.matmul %convert_element_type3A_188, %convert_element_type3A_210, %dot_general3A_218 {dimension_numbers = #tpu.dot_dimension_numbers<[1], [0], [0], [1], [0, 0, 1, 1], [], []>, transpose_lhs_hint = false} : vector<512x512xbf16>, vector<512x128xbf16>, vector<512x128xf32> -> vector<512x128xf32>
    %add3A_220 = arith.addf %dot_general3A_217, %dot_general3A_219 : vector<512x128xf32>
    %add3A_221 = arith.addf %get3A_215, %add3A_220 : vector<512x128xf32>
    %swap3A_222 = arith.constant 3 : index
    %swap3A_223 = arith.constant 0 : index
    %swap3A_224 = arith.constant 0 : index
    %swap3A_225 = vector.load %arg12[%swap3A_222, %swap3A_223, %swap3A_224] : memref<4x512x128xf32, #tpu.memory_space<vmem>>, vector<1x512x128xf32>
    %swap3A_226 = vector.shape_cast %swap3A_225 : vector<1x512x128xf32> to vector<512x128xf32>
    %swap3A_227 = vector.shape_cast %add3A_221 : vector<512x128xf32> to vector<1x512x128xf32>
    tpu.vector_store %arg12[%swap3A_222, %swap3A_223, %swap3A_224], %swap3A_227 {strides = array<i32>} : memref<4x512x128xf32, #tpu.memory_space<vmem>>, vector<1x512x128xf32>,
    %eq3A_228 = arith.constant 1 : i32
    %eq3A_229 = arith.cmpi eq, %arg1, %eq3A_228 : i32
    %convert_element_type3A_230 = arith.extui %eq3A_229 : i1 to i32
    %cond3A_231 = arith.constant 0 : i32
    %cond3A_232 = arith.cmpi ne, %convert_element_type3A_230, %cond3A_231 : i32
    scf.if %cond3A_232 {
      %get3A_233 = arith.constant 0 : index
      %get3A_234 = arith.constant 0 : index
      %get3A_235 = arith.constant 0 : index
      %get3A_236 = vector.load %arg8[%get3A_233, %get3A_234, %get3A_235] : memref<1x512x128xf32, #tpu.memory_space<vmem>>, vector<1x512x128xf32>
      %get3A_237 = vector.shape_cast %get3A_236 : vector<1x512x128xf32> to vector<512x128xf32>
      %get3A_238 = arith.constant 0 : index
      %get3A_239 = arith.constant 0 : index
      %get3A_240 = arith.constant 0 : index
      %get3A_241 = vector.load %arg9[%get3A_238, %get3A_239, %get3A_240] : memref<1x512x128xf32, #tpu.memory_space<vmem>>, vector<1x512x128xf32>
      %get3A_242 = vector.shape_cast %get3A_241 : vector<1x512x128xf32> to vector<512x128xf32>
      %get3A_243 = arith.constant 0 : index
      %get3A_244 = arith.constant 0 : index
      %get3A_245 = arith.constant 0 : index
      %get3A_246 = vector.load %arg12[%get3A_243, %get3A_244, %get3A_245] : memref<4x512x128xf32, #tpu.memory_space<vmem>>, vector<1x512x128xf32>
      %get3A_247 = vector.shape_cast %get3A_246 : vector<1x512x128xf32> to vector<512x128xf32>
      %mul3A_248 = arith.mulf %get3A_247, %get3A_237 : vector<512x128xf32>
      %convert_element_type3A_249 = arith.truncf %mul3A_248 : vector<512x128xf32> to vector<512x128xbf16>
      %swap3A_250 = arith.constant 0 : index
      %swap3A_251 = arith.constant 0 : index
      %swap3A_252 = arith.constant 0 : index
      %swap3A_253 = vector.load %arg10[%swap3A_250, %swap3A_251, %swap3A_252] : memref<4x512x128xbf16, #tpu.memory_space<vmem>>, vector<1x512x128xbf16>
      %swap3A_254 = vector.shape_cast %swap3A_253 : vector<1x512x128xbf16> to vector<512x128xbf16>
      %swap3A_255 = vector.shape_cast %convert_element_type3A_249 : vector<512x128xbf16> to vector<1x512x128xbf16>
      tpu.vector_store %arg10[%swap3A_250, %swap3A_251, %swap3A_252], %swap3A_255 {strides = array<i32>} : memref<4x512x128xbf16, #tpu.memory_space<vmem>>, vector<1x512x128xbf16>,
      %mul3A_256 = arith.mulf %get3A_247, %get3A_242 : vector<512x128xf32>
      %convert_element_type3A_257 = arith.truncf %mul3A_256 : vector<512x128xf32> to vector<512x128xbf16>
      %get3A_258 = arith.constant 1 : index
      %get3A_259 = arith.constant 0 : index
      %get3A_260 = arith.constant 0 : index
      %get3A_261 = vector.load %arg12[%get3A_258, %get3A_259, %get3A_260] : memref<4x512x128xf32, #tpu.memory_space<vmem>>, vector<1x512x128xf32>
      %get3A_262 = vector.shape_cast %get3A_261 : vector<1x512x128xf32> to vector<512x128xf32>
      %mul3A_263 = arith.mulf %get3A_262, %get3A_237 : vector<512x128xf32>
      %convert_element_type3A_264 = arith.truncf %mul3A_263 : vector<512x128xf32> to vector<512x128xbf16>
      %swap3A_265 = arith.constant 1 : index
      %swap3A_266 = arith.constant 0 : index
      %swap3A_267 = arith.constant 0 : index
      %swap3A_268 = vector.load %arg10[%swap3A_265, %swap3A_266, %swap3A_267] : memref<4x512x128xbf16, #tpu.memory_space<vmem>>, vector<1x512x128xbf16>
      %swap3A_269 = vector.shape_cast %swap3A_268 : vector<1x512x128xbf16> to vector<512x128xbf16>
      %swap3A_270 = vector.shape_cast %convert_element_type3A_264 : vector<512x128xbf16> to vector<1x512x128xbf16>
      tpu.vector_store %arg10[%swap3A_265, %swap3A_266, %swap3A_267], %swap3A_270 {strides = array<i32>} : memref<4x512x128xbf16, #tpu.memory_space<vmem>>, vector<1x512x128xbf16>,
      %mul3A_271 = arith.mulf %get3A_262, %get3A_242 : vector<512x128xf32>
      %convert_element_type3A_272 = arith.truncf %mul3A_271 : vector<512x128xf32> to vector<512x128xbf16>
      %get3A_273 = arith.constant 2 : index
      %get3A_274 = arith.constant 0 : index
      %get3A_275 = arith.constant 0 : index
      %get3A_276 = vector.load %arg12[%get3A_273, %get3A_274, %get3A_275] : memref<4x512x128xf32, #tpu.memory_space<vmem>>, vector<1x512x128xf32>
      %get3A_277 = vector.shape_cast %get3A_276 : vector<1x512x128xf32> to vector<512x128xf32>
      %mul3A_278 = arith.mulf %get3A_277, %get3A_237 : vector<512x128xf32>
      %convert_element_type3A_279 = arith.truncf %mul3A_278 : vector<512x128xf32> to vector<512x128xbf16>
      %swap3A_280 = arith.constant 2 : index
      %swap3A_281 = arith.constant 0 : index
      %swap3A_282 = arith.constant 0 : index
      %swap3A_283 = vector.load %arg10[%swap3A_280, %swap3A_281, %swap3A_282] : memref<4x512x128xbf16, #tpu.memory_space<vmem>>, vector<1x512x128xbf16>
      %swap3A_284 = vector.shape_cast %swap3A_283 : vector<1x512x128xbf16> to vector<512x128xbf16>
      %swap3A_285 = vector.shape_cast %convert_element_type3A_279 : vector<512x128xbf16> to vector<1x512x128xbf16>
      tpu.vector_store %arg10[%swap3A_280, %swap3A_281, %swap3A_282], %swap3A_285 {strides = array<i32>} : memref<4x512x128xbf16, #tpu.memory_space<vmem>>, vector<1x512x128xbf16>,
      %mul3A_286 = arith.mulf %get3A_277, %get3A_242 : vector<512x128xf32>
      %convert_element_type3A_287 = arith.truncf %mul3A_286 : vector<512x128xf32> to vector<512x128xbf16>
      %get3A_288 = arith.constant 3 : index
      %get3A_289 = arith.constant 0 : index
      %get3A_290 = arith.constant 0 : index
      %get3A_291 = vector.load %arg12[%get3A_288, %get3A_289, %get3A_290] : memref<4x512x128xf32, #tpu.memory_space<vmem>>, vector<1x512x128xf32>
      %get3A_292 = vector.shape_cast %get3A_291 : vector<1x512x128xf32> to vector<512x128xf32>
      %mul3A_293 = arith.mulf %get3A_292, %get3A_237 : vector<512x128xf32>
      %convert_element_type3A_294 = arith.truncf %mul3A_293 : vector<512x128xf32> to vector<512x128xbf16>
      %swap3A_295 = arith.constant 3 : index
      %swap3A_296 = arith.constant 0 : index
      %swap3A_297 = arith.constant 0 : index
      %swap3A_298 = vector.load %arg10[%swap3A_295, %swap3A_296, %swap3A_297] : memref<4x512x128xbf16, #tpu.memory_space<vmem>>, vector<1x512x128xbf16>
      %swap3A_299 = vector.shape_cast %swap3A_298 : vector<1x512x128xbf16> to vector<512x128xbf16>
      %swap3A_300 = vector.shape_cast %convert_element_type3A_294 : vector<512x128xbf16> to vector<1x512x128xbf16>
      tpu.vector_store %arg10[%swap3A_295, %swap3A_296, %swap3A_297], %swap3A_300 {strides = array<i32>} : memref<4x512x128xbf16, #tpu.memory_space<vmem>>, vector<1x512x128xbf16>,
      %mul3A_301 = arith.mulf %get3A_292, %get3A_242 : vector<512x128xf32>
      %convert_element_type3A_302 = arith.truncf %mul3A_301 : vector<512x128xf32> to vector<512x128xbf16>
      %concatenate3A = tpu.concatenate %convert_element_type3A_257, %convert_element_type3A_272, %convert_element_type3A_287, %convert_element_type3A_302 in 1 : vector<512x128xbf16>, vector<512x128xbf16>, vector<512x128xbf16>, vector<512x128xbf16> -> vector<512x512xbf16>
      %swap3A_303 = arith.constant 0 : index
      %swap3A_304 = arith.constant 0 : index
      %swap3A_305 = vector.load %arg11[%swap3A_303, %swap3A_304] : memref<512x512xbf16, #tpu.memory_space<vmem>>, vector<512x512xbf16>
      tpu.vector_store %arg11[%swap3A_303, %swap3A_304], %concatenate3A {strides = array<i32>} : memref<512x512xbf16, #tpu.memory_space<vmem>>, vector<512x512xbf16>,
    } else {
    }
    return
  }
  func.func @transform_0(%arg0: i32, %arg1: i32) -> (i32, i32, i32) {
    %c0_i32 = arith.constant 0 : i32
    %c0_i32_0 = arith.constant 0 : i32
    return %c0_i32, %arg0, %arg1 : i32, i32, i32
  }
  func.func @transform_1(%arg0: i32, %arg1: i32) -> (i32, i32, i32) {
    %add3A = arith.constant 2 : i32
    %add3A_0 = arith.addi %arg1, %add3A : i32
    %c0_i32 = arith.constant 0 : i32
    %c0_i32_1 = arith.constant 0 : i32
    return %c0_i32, %arg0, %add3A_0 : i32, i32, i32
  }
  func.func @transform_2(%arg0: i32, %arg1: i32) -> (i32, i32) {
    %c0_i32 = arith.constant 0 : i32
    return %arg0, %arg1 : i32, i32
  }
  func.func @transform_3(%arg0: i32, %arg1: i32) -> (i32, i32, i32) {
    %c0_i32 = arith.constant 0 : i32
    %c0_i32_0 = arith.constant 0 : i32
    %c0_i32_1 = arith.constant 0 : i32
    %c0_i32_2 = arith.constant 0 : i32
    return %c0_i32, %c0_i32_0, %c0_i32_1 : i32, i32, i32
  }
  func.func @transform_4(%arg0: i32, %arg1: i32) -> (i32, i32, i32) {
    %c3_i32 = arith.constant 3 : i32
    %c0_i32 = arith.constant 0 : i32
    %c0_i32_0 = arith.constant 0 : i32
    return %c3_i32, %arg1, %c0_i32 : i32, i32, i32
  }
  func.func @transform_5(%arg0: i32, %arg1: i32) -> (i32, i32, i32) {
    %add3A = arith.constant 2 : i32
    %add3A_0 = arith.addi %arg1, %add3A : i32
    %c3_i32 = arith.constant 3 : i32
    %c0_i32 = arith.constant 0 : i32
    %c0_i32_1 = arith.constant 0 : i32
    return %c3_i32, %add3A_0, %c0_i32 : i32, i32, i32
  }
  func.func @transform_6(%arg0: i32, %arg1: i32) -> (i32, i32, i32) {
    %c0_i32 = arith.constant 0 : i32
    %c0_i32_0 = arith.constant 0 : i32
    %c0_i32_1 = arith.constant 0 : i32
    return %c0_i32, %arg0, %c0_i32_0 : i32, i32, i32
  }
  func.func @transform_7(%arg0: i32, %arg1: i32) -> (i32, i32, i32) {
    %c1_i32 = arith.constant 1 : i32
    %c0_i32 = arith.constant 0 : i32
    %c0_i32_0 = arith.constant 0 : i32
    return %c1_i32, %arg0, %c0_i32 : i32, i32, i32
  }
  func.func @transform_8(%arg0: i32, %arg1: i32) -> (i32, i32, i32) {
    %c0_i32 = arith.constant 0 : i32
    %c0_i32_0 = arith.constant 0 : i32
    %c0_i32_1 = arith.constant 0 : i32
    return %c0_i32, %arg0, %c0_i32_0 : i32, i32, i32
  }
  func.func @transform_9(%arg0: i32, %arg1: i32) -> (i32, i32) {
    %c0_i32 = arith.constant 0 : i32
    %c0_i32_0 = arith.constant 0 : i32
    return %arg0, %c0_i32 : i32, i32
  }
}

module attributes {stable_mosaic.version = 14 : i64} {
  func.func @body(%arg0: i32, %arg1: memref<1024x1024xi32, #tpu.memory_space<vmem>>, %arg2: memref<4x1024x128xf32, #tpu.memory_space<vmem>>) attributes {dimension_semantics = [#tpu.dimension_semantics<arbitrary>], iteration_bounds = array<i64: 2>, scalar_prefetch = 0 : i64, scratch_operands = 0 : i64, tpu.core_type = #tpu.core_type<tc>, window_params = [{transform_indices = @transform_0, window_bounds = array<i64: 1024, 1024>}, {transform_indices = @transform_1, window_bounds = array<i64: 4, 1024, 128>}]} {
    %get3A = arith.constant 0 : index
    %get3A_0 = arith.constant 0 : index
    %get3A_1 = vector.load %arg1[%get3A, %get3A_0] : memref<1024x1024xi32, #tpu.memory_space<vmem>>, vector<1024x1024xi32>
    %and3A = arith.constant 65535 : i32
    %and3A_2 = vector.broadcast %and3A : i32 to vector<1024x1024xi32>
    %and3A_3 = arith.andi %get3A_1, %and3A_2 : vector<1024x1024xi32>
    %convert_element_type3A = arith.sitofp %and3A_3 : vector<1024x1024xi32> to vector<1024x1024xf32>
    %shift_right_logical3A = arith.constant 16 : i32
    %shift_right_logical3A_4 = vector.broadcast %shift_right_logical3A : i32 to vector<1024x1024xi32>
    %shift_right_logical3A_5 = arith.shrui %get3A_1, %shift_right_logical3A_4 : vector<1024x1024xi32>
    %convert_element_type3A_6 = arith.sitofp %shift_right_logical3A_5 : vector<1024x1024xi32> to vector<1024x1024xf32>
    %reduce_sum3A = arith.constant dense<0.000000e+00> : vector<1024xf32>
    %reduce_sum3A_7 = vector.multi_reduction <add>, %convert_element_type3A, %reduce_sum3A [1] : vector<1024x1024xf32> to vector<1024xf32>
    %broadcast_in_dim3A = vector.shape_cast %reduce_sum3A_7 : vector<1024xf32> to vector<1024x1xf32>
    %reduce_sum3A_8 = arith.constant dense<0.000000e+00> : vector<1024xf32>
    %reduce_sum3A_9 = vector.multi_reduction <add>, %convert_element_type3A_6, %reduce_sum3A_8 [1] : vector<1024x1024xf32> to vector<1024xf32>
    %broadcast_in_dim3A_10 = vector.shape_cast %reduce_sum3A_9 : vector<1024xf32> to vector<1024x1xf32>
    %add3A = arith.addf %broadcast_in_dim3A, %broadcast_in_dim3A_10 : vector<1024x1xf32>
    %gt3A = arith.constant 0.000000e+00 : f32
    %gt3A_11 = vector.broadcast %gt3A : f32 to vector<1024x1xf32>
    %gt3A_12 = arith.cmpf ogt, %add3A, %gt3A_11 : vector<1024x1xf32>
    %max3A = arith.constant 1.000000e-30 : f32
    %max3A_13 = vector.broadcast %max3A : f32 to vector<1024x1xf32>
    %max3A_14 = arith.maximumf %add3A, %max3A_13 : vector<1024x1xf32>
    %rsqrt3A = math.rsqrt %max3A_14 : vector<1024x1xf32>
    %jit3A = arith.constant 0.000000e+00 : f32
    %broadcast_in_dim3A_15 = vector.broadcast %jit3A : f32 to vector<1024x1xf32>
    %select_n3A = arith.select %gt3A_12, %rsqrt3A, %broadcast_in_dim3A_15 : vector<1024x1xi1>, vector<1024x1xf32>
    %add3A_16 = arith.constant 2.000000e+00 : f32
    %add3A_17 = vector.broadcast %add3A_16 : f32 to vector<1024x1xf32>
    %add3A_18 = arith.addf %add3A, %add3A_17 : vector<1024x1xf32>
    %div3A = arith.constant 1.000000e+00 : f32
    %div3A_19 = vector.broadcast %div3A : f32 to vector<1024x1xf32>
    %div3A_20 = arith.divf %div3A_19, %add3A_18 : vector<1024x1xf32>
    %neg3A = arith.constant 0.000000e+00 : f32
    %neg3A_21 = vector.broadcast %neg3A : f32 to vector<1024x1xf32>
    %neg3A_22 = arith.subf %neg3A_21, %select_n3A : vector<1024x1xf32>
    %mul3A = arith.mulf %neg3A_22, %div3A_20 : vector<1024x1xf32>
    %broadcast_in_dim3A_23 = vector.shape_cast %mul3A : vector<1024x1xf32> to vector<1024x1xf32>
    %broadcast_in_dim3A_24 = vector.broadcast %broadcast_in_dim3A_23 : vector<1024x1xf32> to vector<1024x128xf32>
    %swap3A = arith.constant 0 : index
    %swap3A_25 = arith.constant 0 : index
    %swap3A_26 = arith.constant 0 : index
    %swap3A_27 = vector.load %arg2[%swap3A, %swap3A_25, %swap3A_26] : memref<4x1024x128xf32, #tpu.memory_space<vmem>>, vector<1x1024x128xf32>
    %swap3A_28 = vector.shape_cast %swap3A_27 : vector<1x1024x128xf32> to vector<1024x128xf32>
    %swap3A_29 = vector.shape_cast %broadcast_in_dim3A_24 : vector<1024x128xf32> to vector<1x1024x128xf32>
    tpu.vector_store %arg2[%swap3A, %swap3A_25, %swap3A_26], %swap3A_29 {strides = array<i32>} : memref<4x1024x128xf32, #tpu.memory_space<vmem>>, vector<1x1024x128xf32>,
    %mul3A_30 = arith.mulf %mul3A, %select_n3A : vector<1024x1xf32>
    %broadcast_in_dim3A_31 = vector.shape_cast %mul3A_30 : vector<1024x1xf32> to vector<1024x1xf32>
    %broadcast_in_dim3A_32 = vector.broadcast %broadcast_in_dim3A_31 : vector<1024x1xf32> to vector<1024x128xf32>
    %swap3A_33 = arith.constant 1 : index
    %swap3A_34 = arith.constant 0 : index
    %swap3A_35 = arith.constant 0 : index
    %swap3A_36 = vector.load %arg2[%swap3A_33, %swap3A_34, %swap3A_35] : memref<4x1024x128xf32, #tpu.memory_space<vmem>>, vector<1x1024x128xf32>
    %swap3A_37 = vector.shape_cast %swap3A_36 : vector<1x1024x128xf32> to vector<1024x128xf32>
    %swap3A_38 = vector.shape_cast %broadcast_in_dim3A_32 : vector<1024x128xf32> to vector<1x1024x128xf32>
    tpu.vector_store %arg2[%swap3A_33, %swap3A_34, %swap3A_35], %swap3A_38 {strides = array<i32>} : memref<4x1024x128xf32, #tpu.memory_space<vmem>>, vector<1x1024x128xf32>,
    %mul3A_39 = arith.constant 2.000000e+00 : f32
    %mul3A_40 = vector.broadcast %mul3A_39 : f32 to vector<1024x1xf32>
    %mul3A_41 = arith.mulf %mul3A_40, %mul3A : vector<1024x1xf32>
    %broadcast_in_dim3A_42 = vector.shape_cast %mul3A_41 : vector<1024x1xf32> to vector<1024x1xf32>
    %broadcast_in_dim3A_43 = vector.broadcast %broadcast_in_dim3A_42 : vector<1024x1xf32> to vector<1024x128xf32>
    %swap3A_44 = arith.constant 2 : index
    %swap3A_45 = arith.constant 0 : index
    %swap3A_46 = arith.constant 0 : index
    %swap3A_47 = vector.load %arg2[%swap3A_44, %swap3A_45, %swap3A_46] : memref<4x1024x128xf32, #tpu.memory_space<vmem>>, vector<1x1024x128xf32>
    %swap3A_48 = vector.shape_cast %swap3A_47 : vector<1x1024x128xf32> to vector<1024x128xf32>
    %swap3A_49 = vector.shape_cast %broadcast_in_dim3A_43 : vector<1024x128xf32> to vector<1x1024x128xf32>
    tpu.vector_store %arg2[%swap3A_44, %swap3A_45, %swap3A_46], %swap3A_49 {strides = array<i32>} : memref<4x1024x128xf32, #tpu.memory_space<vmem>>, vector<1x1024x128xf32>,
    %broadcast_in_dim3A_50 = vector.shape_cast %select_n3A : vector<1024x1xf32> to vector<1024x1xf32>
    %broadcast_in_dim3A_51 = vector.broadcast %broadcast_in_dim3A_50 : vector<1024x1xf32> to vector<1024x128xf32>
    %swap3A_52 = arith.constant 3 : index
    %swap3A_53 = arith.constant 0 : index
    %swap3A_54 = arith.constant 0 : index
    %swap3A_55 = vector.load %arg2[%swap3A_52, %swap3A_53, %swap3A_54] : memref<4x1024x128xf32, #tpu.memory_space<vmem>>, vector<1x1024x128xf32>
    %swap3A_56 = vector.shape_cast %swap3A_55 : vector<1x1024x128xf32> to vector<1024x128xf32>
    %swap3A_57 = vector.shape_cast %broadcast_in_dim3A_51 : vector<1024x128xf32> to vector<1x1024x128xf32>
    tpu.vector_store %arg2[%swap3A_52, %swap3A_53, %swap3A_54], %swap3A_57 {strides = array<i32>} : memref<4x1024x128xf32, #tpu.memory_space<vmem>>, vector<1x1024x128xf32>,
    return
  }
  func.func @transform_0(%arg0: i32) -> (i32, i32) {
    %c0_i32 = arith.constant 0 : i32
    %c0_i32_0 = arith.constant 0 : i32
    return %arg0, %c0_i32 : i32, i32
  }
  func.func @transform_1(%arg0: i32) -> (i32, i32, i32) {
    %c0_i32 = arith.constant 0 : i32
    %c0_i32_0 = arith.constant 0 : i32
    %c0_i32_1 = arith.constant 0 : i32
    return %c0_i32, %arg0, %c0_i32_0 : i32, i32, i32
  }
}

module attributes {stable_mosaic.version = 14 : i64} {
  func.func @body(%arg0: i32, %arg1: i32, %arg2: memref<1024x512xi32, #tpu.memory_space<vmem>>, %arg3: memref<2048x512xbf16, #tpu.memory_space<vmem>>, %arg4: memref<4x1024x128xbf16, #tpu.memory_space<vmem>>, %arg5: memref<4x1024x128xbf16, #tpu.memory_space<vmem>>, %arg6: memref<1x1024x128xf32, #tpu.memory_space<vmem>>, %arg7: memref<3x128x128xf32, #tpu.memory_space<vmem>>, %arg8: memref<1x128xf32, #tpu.memory_space<vmem>>, %arg9: memref<4x1024x128xf32, #tpu.memory_space<vmem>>, %arg10: memref<1024x512xf32, #tpu.memory_space<vmem>>) attributes {dimension_semantics = [#tpu.dimension_semantics<arbitrary>, #tpu.dimension_semantics<arbitrary>], iteration_bounds = array<i64: 2, 2>, scalar_prefetch = 0 : i64, scratch_operands = 1 : i64, tpu.core_type = #tpu.core_type<tc>, window_params = [{transform_indices = @transform_0, window_bounds = array<i64: 1024, 512>}, {pipeline_mode = #tpu.pipeline_mode<synchronous>, transform_indices = @transform_1, window_bounds = array<i64: 2048, 512>}, {transform_indices = @transform_2, window_bounds = array<i64: 4, 1024, 128>}, {transform_indices = @transform_3, window_bounds = array<i64: 4, 1024, 128>}, {transform_indices = @transform_4, window_bounds = array<i64: 1, 1024, 128>}, {pipeline_mode = #tpu.pipeline_mode<synchronous>, transform_indices = @transform_5, window_bounds = array<i64: 3, 128, 128>}, {pipeline_mode = #tpu.pipeline_mode<synchronous>, transform_indices = @transform_6, window_bounds = array<i64: 1, 128>}, {transform_indices = @transform_7, window_bounds = array<i64: 4, 1024, 128>}]} {
    %eq3A = arith.constant 0 : i32
    %eq3A_0 = arith.cmpi eq, %arg1, %eq3A : i32
    %convert_element_type3A = arith.extui %eq3A_0 : i1 to i32
    %cond3A = arith.constant 0 : i32
    %cond3A_1 = arith.cmpi ne, %convert_element_type3A, %cond3A : i32
    scf.if %cond3A_1 {
      %broadcast_in_dim3A = arith.constant 0.000000e+00 : f32
      %broadcast_in_dim3A_37 = vector.broadcast %broadcast_in_dim3A : f32 to vector<1024x512xf32>
      %swap3A_38 = arith.constant 0 : index
      %swap3A_39 = arith.constant 0 : index
      %swap3A_40 = vector.load %arg10[%swap3A_38, %swap3A_39] : memref<1024x512xf32, #tpu.memory_space<vmem>>, vector<1024x512xf32>
      tpu.vector_store %arg10[%swap3A_38, %swap3A_39], %broadcast_in_dim3A_37 {strides = array<i32>} : memref<1024x512xf32, #tpu.memory_space<vmem>>, vector<1024x512xf32>,
    } else {
    }
    %get3A = arith.constant 0 : index
    %get3A_2 = arith.constant 0 : index
    %get3A_3 = vector.load %arg2[%get3A, %get3A_2] : memref<1024x512xi32, #tpu.memory_space<vmem>>, vector<1024x512xi32>
    %and3A = arith.constant 65535 : i32
    %and3A_4 = vector.broadcast %and3A : i32 to vector<1024x512xi32>
    %and3A_5 = arith.andi %get3A_3, %and3A_4 : vector<1024x512xi32>
    %convert_element_type3A_6 = arith.sitofp %and3A_5 : vector<1024x512xi32> to vector<1024x512xf32>
    %convert_element_type3A_7 = arith.truncf %convert_element_type3A_6 : vector<1024x512xf32> to vector<1024x512xbf16>
    %shift_right_logical3A = arith.constant 16 : i32
    %shift_right_logical3A_8 = vector.broadcast %shift_right_logical3A : i32 to vector<1024x512xi32>
    %shift_right_logical3A_9 = arith.shrui %get3A_3, %shift_right_logical3A_8 : vector<1024x512xi32>
    %convert_element_type3A_10 = arith.sitofp %shift_right_logical3A_9 : vector<1024x512xi32> to vector<1024x512xf32>
    %convert_element_type3A_11 = arith.truncf %convert_element_type3A_10 : vector<1024x512xf32> to vector<1024x512xbf16>
    %get3A_12 = arith.constant 0 : index
    %get3A_13 = arith.constant 0 : index
    %get3A_14 = vector.load %arg10[%get3A_12, %get3A_13] : memref<1024x512xf32, #tpu.memory_space<vmem>>, vector<1024x512xf32>
    %mul3A = arith.constant 512 : i32
    %mul3A_15 = arith.muli %arg1, %mul3A : i32
    %get3A_16 = arith.index_cast %mul3A_15 : i32 to index
    %get3A_17 = arith.constant 0 : index
    %get3A_18 = vector.load %arg3[%get3A_16, %get3A_17] : memref<2048x512xbf16, #tpu.memory_space<vmem>>, vector<512x512xbf16>
    %dot_general3A = arith.constant dense<0.000000e+00> : vector<1024x512xf32>
    %dot_general3A_19 = tpu.matmul %convert_element_type3A_7, %get3A_18, %dot_general3A {dimension_numbers = #tpu.dot_dimension_numbers<[1], [0], [0], [1], [0, 0, 1, 1], [], []>, transpose_lhs_hint = false} : vector<1024x512xbf16>, vector<512x512xbf16>, vector<1024x512xf32> -> vector<1024x512xf32>
    %add3A = arith.constant 2 : i32
    %add3A_20 = arith.addi %add3A, %arg1 : i32
    %mul3A_21 = arith.constant 512 : i32
    %mul3A_22 = arith.muli %add3A_20, %mul3A_21 : i32
    %get3A_23 = arith.index_cast %mul3A_22 : i32 to index
    %get3A_24 = arith.constant 0 : index
    %get3A_25 = vector.load %arg3[%get3A_23, %get3A_24] : memref<2048x512xbf16, #tpu.memory_space<vmem>>, vector<512x512xbf16>
    %dot_general3A_26 = arith.constant dense<0.000000e+00> : vector<1024x512xf32>
    %dot_general3A_27 = tpu.matmul %convert_element_type3A_11, %get3A_25, %dot_general3A_26 {dimension_numbers = #tpu.dot_dimension_numbers<[1], [0], [0], [1], [0, 0, 1, 1], [], []>, transpose_lhs_hint = false} : vector<1024x512xbf16>, vector<512x512xbf16>, vector<1024x512xf32> -> vector<1024x512xf32>
    %add3A_28 = arith.addf %dot_general3A_19, %dot_general3A_27 : vector<1024x512xf32>
    %add3A_29 = arith.addf %get3A_14, %add3A_28 : vector<1024x512xf32>
    %swap3A = arith.constant 0 : index
    %swap3A_30 = arith.constant 0 : index
    %swap3A_31 = vector.load %arg10[%swap3A, %swap3A_30] : memref<1024x512xf32, #tpu.memory_space<vmem>>, vector<1024x512xf32>
    tpu.vector_store %arg10[%swap3A, %swap3A_30], %add3A_29 {strides = array<i32>} : memref<1024x512xf32, #tpu.memory_space<vmem>>, vector<1024x512xf32>,
    %eq3A_32 = arith.constant 1 : i32
    %eq3A_33 = arith.cmpi eq, %arg1, %eq3A_32 : i32
    %convert_element_type3A_34 = arith.extui %eq3A_33 : i1 to i32
    %cond3A_35 = arith.constant 0 : i32
    %cond3A_36 = arith.cmpi ne, %convert_element_type3A_34, %cond3A_35 : i32
    scf.if %cond3A_36 {
      %get3A_37 = arith.constant 0 : index
      %get3A_38 = arith.constant 0 : index
      %get3A_39 = arith.constant 0 : index
      %get3A_40 = vector.load %arg6[%get3A_37, %get3A_38, %get3A_39] : memref<1x1024x128xf32, #tpu.memory_space<vmem>>, vector<1x1024x128xf32>
      %get3A_41 = vector.shape_cast %get3A_40 : vector<1x1024x128xf32> to vector<1024x128xf32>
      %get3A_42 = arith.constant 0 : index
      %get3A_43 = arith.constant 0 : index
      %get3A_44 = arith.constant 0 : index
      %get3A_45 = vector.load %arg7[%get3A_42, %get3A_43, %get3A_44] : memref<3x128x128xf32, #tpu.memory_space<vmem>>, vector<3x128x128xf32>
      %convert_element_type3A_46 = arith.truncf %get3A_45 : vector<3x128x128xf32> to vector<3x128x128xbf16>
      %get3A_47 = arith.constant 0 : index
      %get3A_48 = arith.constant 0 : index
      %get3A_49 = vector.load %arg8[%get3A_47, %get3A_48] : memref<1x128xf32, #tpu.memory_space<vmem>>, vector<1x128xf32>
      %get3A_50 = arith.constant 0 : index
      %get3A_51 = arith.constant 0 : index
      %get3A_52 = arith.constant 0 : index
      %get3A_53 = vector.load %arg4[%get3A_50, %get3A_51, %get3A_52] : memref<4x1024x128xbf16, #tpu.memory_space<vmem>>, vector<1x1024x128xbf16>
      %get3A_54 = vector.shape_cast %get3A_53 : vector<1x1024x128xbf16> to vector<1024x128xbf16>
      %get3A_55 = arith.constant 0 : index
      %get3A_56 = arith.constant 0 : index
      %get3A_57 = vector.load %arg10[%get3A_55, %get3A_56] : memref<1024x512xf32, #tpu.memory_space<vmem>>, vector<1024x128xf32>
      %mul3A_58 = arith.mulf %get3A_57, %get3A_41 : vector<1024x128xf32>
      %convert_element_type3A_59 = arith.extf %get3A_54 : vector<1024x128xbf16> to vector<1024x128xf32>
      %sub3A = arith.subf %mul3A_58, %convert_element_type3A_59 : vector<1024x128xf32>
      %slice3A = vector.extract_strided_slice %convert_element_type3A_46 {offsets = [0, 0, 0], sizes = [1, 128, 128], strides = [1, 1, 1]} : vector<3x128x128xbf16> to vector<1x128x128xbf16>
      %squeeze3A = vector.shape_cast %slice3A : vector<1x128x128xbf16> to vector<128x128xbf16>
      %dot_general3A_60 = arith.constant dense<0.000000e+00> : vector<1024x128xf32>
      %dot_general3A_61 = tpu.matmul %get3A_54, %squeeze3A, %dot_general3A_60 {dimension_numbers = #tpu.dot_dimension_numbers<[1], [0], [0], [1], [0, 0, 1, 1], [], []>, transpose_lhs_hint = false} : vector<1024x128xbf16>, vector<128x128xbf16>, vector<1024x128xf32> -> vector<1024x128xf32>
      %get3A_62 = arith.constant 0 : index
      %get3A_63 = arith.constant 0 : index
      %get3A_64 = arith.constant 0 : index
      %get3A_65 = vector.load %arg5[%get3A_62, %get3A_63, %get3A_64] : memref<4x1024x128xbf16, #tpu.memory_space<vmem>>, vector<1x1024x128xbf16>
      %get3A_66 = vector.shape_cast %get3A_65 : vector<1x1024x128xbf16> to vector<1024x128xbf16>
      %slice3A_67 = vector.extract_strided_slice %convert_element_type3A_46 {offsets = [1, 0, 0], sizes = [1, 128, 128], strides = [1, 1, 1]} : vector<3x128x128xbf16> to vector<1x128x128xbf16>
      %squeeze3A_68 = vector.shape_cast %slice3A_67 : vector<1x128x128xbf16> to vector<128x128xbf16>
      %dot_general3A_69 = arith.constant dense<0.000000e+00> : vector<1024x128xf32>
      %dot_general3A_70 = tpu.matmul %get3A_66, %squeeze3A_68, %dot_general3A_69 {dimension_numbers = #tpu.dot_dimension_numbers<[1], [0], [0], [1], [0, 0, 1, 1], [], []>, transpose_lhs_hint = false} : vector<1024x128xbf16>, vector<128x128xbf16>, vector<1024x128xf32> -> vector<1024x128xf32>
      %add3A_71 = arith.addf %dot_general3A_61, %dot_general3A_70 : vector<1024x128xf32>
      %convert_element_type3A_72 = arith.truncf %sub3A : vector<1024x128xf32> to vector<1024x128xbf16>
      %slice3A_73 = vector.extract_strided_slice %convert_element_type3A_46 {offsets = [2, 0, 0], sizes = [1, 128, 128], strides = [1, 1, 1]} : vector<3x128x128xbf16> to vector<1x128x128xbf16>
      %squeeze3A_74 = vector.shape_cast %slice3A_73 : vector<1x128x128xbf16> to vector<128x128xbf16>
      %dot_general3A_75 = arith.constant dense<0.000000e+00> : vector<1024x128xf32>
      %dot_general3A_76 = tpu.matmul %convert_element_type3A_72, %squeeze3A_74, %dot_general3A_75 {dimension_numbers = #tpu.dot_dimension_numbers<[1], [0], [0], [1], [0, 0, 1, 1], [], []>, transpose_lhs_hint = false} : vector<1024x128xbf16>, vector<128x128xbf16>, vector<1024x128xf32> -> vector<1024x128xf32>
      %add3A_77 = arith.addf %add3A_71, %dot_general3A_76 : vector<1024x128xf32>
      %add3A_78 = vector.broadcast %get3A_49 : vector<1x128xf32> to vector<1024x128xf32>
      %add3A_79 = arith.addf %add3A_77, %add3A_78 : vector<1024x128xf32>
      %swap3A_80 = arith.constant 0 : index
      %swap3A_81 = arith.constant 0 : index
      %swap3A_82 = arith.constant 0 : index
      %swap3A_83 = vector.load %arg9[%swap3A_80, %swap3A_81, %swap3A_82] : memref<4x1024x128xf32, #tpu.memory_space<vmem>>, vector<1x1024x128xf32>
      %swap3A_84 = vector.shape_cast %swap3A_83 : vector<1x1024x128xf32> to vector<1024x128xf32>
      %swap3A_85 = vector.shape_cast %add3A_79 : vector<1024x128xf32> to vector<1x1024x128xf32>
      tpu.vector_store %arg9[%swap3A_80, %swap3A_81, %swap3A_82], %swap3A_85 {strides = array<i32>} : memref<4x1024x128xf32, #tpu.memory_space<vmem>>, vector<1x1024x128xf32>,
      %get3A_86 = arith.constant 1 : index
      %get3A_87 = arith.constant 0 : index
      %get3A_88 = arith.constant 0 : index
      %get3A_89 = vector.load %arg4[%get3A_86, %get3A_87, %get3A_88] : memref<4x1024x128xbf16, #tpu.memory_space<vmem>>, vector<1x1024x128xbf16>
      %get3A_90 = vector.shape_cast %get3A_89 : vector<1x1024x128xbf16> to vector<1024x128xbf16>
      %get3A_91 = arith.constant 0 : index
      %get3A_92 = arith.constant 128 : index
      %get3A_93 = vector.load %arg10[%get3A_91, %get3A_92] : memref<1024x512xf32, #tpu.memory_space<vmem>>, vector<1024x128xf32>
      %mul3A_94 = arith.mulf %get3A_93, %get3A_41 : vector<1024x128xf32>
      %convert_element_type3A_95 = arith.extf %get3A_90 : vector<1024x128xbf16> to vector<1024x128xf32>
      %sub3A_96 = arith.subf %mul3A_94, %convert_element_type3A_95 : vector<1024x128xf32>
      %slice3A_97 = vector.extract_strided_slice %convert_element_type3A_46 {offsets = [0, 0, 0], sizes = [1, 128, 128], strides = [1, 1, 1]} : vector<3x128x128xbf16> to vector<1x128x128xbf16>
      %squeeze3A_98 = vector.shape_cast %slice3A_97 : vector<1x128x128xbf16> to vector<128x128xbf16>
      %dot_general3A_99 = arith.constant dense<0.000000e+00> : vector<1024x128xf32>
      %dot_general3A_100 = tpu.matmul %get3A_90, %squeeze3A_98, %dot_general3A_99 {dimension_numbers = #tpu.dot_dimension_numbers<[1], [0], [0], [1], [0, 0, 1, 1], [], []>, transpose_lhs_hint = false} : vector<1024x128xbf16>, vector<128x128xbf16>, vector<1024x128xf32> -> vector<1024x128xf32>
      %get3A_101 = arith.constant 1 : index
      %get3A_102 = arith.constant 0 : index
      %get3A_103 = arith.constant 0 : index
      %get3A_104 = vector.load %arg5[%get3A_101, %get3A_102, %get3A_103] : memref<4x1024x128xbf16, #tpu.memory_space<vmem>>, vector<1x1024x128xbf16>
      %get3A_105 = vector.shape_cast %get3A_104 : vector<1x1024x128xbf16> to vector<1024x128xbf16>
      %slice3A_106 = vector.extract_strided_slice %convert_element_type3A_46 {offsets = [1, 0, 0], sizes = [1, 128, 128], strides = [1, 1, 1]} : vector<3x128x128xbf16> to vector<1x128x128xbf16>
      %squeeze3A_107 = vector.shape_cast %slice3A_106 : vector<1x128x128xbf16> to vector<128x128xbf16>
      %dot_general3A_108 = arith.constant dense<0.000000e+00> : vector<1024x128xf32>
      %dot_general3A_109 = tpu.matmul %get3A_105, %squeeze3A_107, %dot_general3A_108 {dimension_numbers = #tpu.dot_dimension_numbers<[1], [0], [0], [1], [0, 0, 1, 1], [], []>, transpose_lhs_hint = false} : vector<1024x128xbf16>, vector<128x128xbf16>, vector<1024x128xf32> -> vector<1024x128xf32>
      %add3A_110 = arith.addf %dot_general3A_100, %dot_general3A_109 : vector<1024x128xf32>
      %convert_element_type3A_111 = arith.truncf %sub3A_96 : vector<1024x128xf32> to vector<1024x128xbf16>
      %slice3A_112 = vector.extract_strided_slice %convert_element_type3A_46 {offsets = [2, 0, 0], sizes = [1, 128, 128], strides = [1, 1, 1]} : vector<3x128x128xbf16> to vector<1x128x128xbf16>
      %squeeze3A_113 = vector.shape_cast %slice3A_112 : vector<1x128x128xbf16> to vector<128x128xbf16>
      %dot_general3A_114 = arith.constant dense<0.000000e+00> : vector<1024x128xf32>
      %dot_general3A_115 = tpu.matmul %convert_element_type3A_111, %squeeze3A_113, %dot_general3A_114 {dimension_numbers = #tpu.dot_dimension_numbers<[1], [0], [0], [1], [0, 0, 1, 1], [], []>, transpose_lhs_hint = false} : vector<1024x128xbf16>, vector<128x128xbf16>, vector<1024x128xf32> -> vector<1024x128xf32>
      %add3A_116 = arith.addf %add3A_110, %dot_general3A_115 : vector<1024x128xf32>
      %add3A_117 = vector.broadcast %get3A_49 : vector<1x128xf32> to vector<1024x128xf32>
      %add3A_118 = arith.addf %add3A_116, %add3A_117 : vector<1024x128xf32>
      %swap3A_119 = arith.constant 1 : index
      %swap3A_120 = arith.constant 0 : index
      %swap3A_121 = arith.constant 0 : index
      %swap3A_122 = vector.load %arg9[%swap3A_119, %swap3A_120, %swap3A_121] : memref<4x1024x128xf32, #tpu.memory_space<vmem>>, vector<1x1024x128xf32>
      %swap3A_123 = vector.shape_cast %swap3A_122 : vector<1x1024x128xf32> to vector<1024x128xf32>
      %swap3A_124 = vector.shape_cast %add3A_118 : vector<1024x128xf32> to vector<1x1024x128xf32>
      tpu.vector_store %arg9[%swap3A_119, %swap3A_120, %swap3A_121], %swap3A_124 {strides = array<i32>} : memref<4x1024x128xf32, #tpu.memory_space<vmem>>, vector<1x1024x128xf32>,
      %get3A_125 = arith.constant 2 : index
      %get3A_126 = arith.constant 0 : index
      %get3A_127 = arith.constant 0 : index
      %get3A_128 = vector.load %arg4[%get3A_125, %get3A_126, %get3A_127] : memref<4x1024x128xbf16, #tpu.memory_space<vmem>>, vector<1x1024x128xbf16>
      %get3A_129 = vector.shape_cast %get3A_128 : vector<1x1024x128xbf16> to vector<1024x128xbf16>
      %get3A_130 = arith.constant 0 : index
      %get3A_131 = arith.constant 256 : index
      %get3A_132 = vector.load %arg10[%get3A_130, %get3A_131] : memref<1024x512xf32, #tpu.memory_space<vmem>>, vector<1024x128xf32>
      %mul3A_133 = arith.mulf %get3A_132, %get3A_41 : vector<1024x128xf32>
      %convert_element_type3A_134 = arith.extf %get3A_129 : vector<1024x128xbf16> to vector<1024x128xf32>
      %sub3A_135 = arith.subf %mul3A_133, %convert_element_type3A_134 : vector<1024x128xf32>
      %slice3A_136 = vector.extract_strided_slice %convert_element_type3A_46 {offsets = [0, 0, 0], sizes = [1, 128, 128], strides = [1, 1, 1]} : vector<3x128x128xbf16> to vector<1x128x128xbf16>
      %squeeze3A_137 = vector.shape_cast %slice3A_136 : vector<1x128x128xbf16> to vector<128x128xbf16>
      %dot_general3A_138 = arith.constant dense<0.000000e+00> : vector<1024x128xf32>
      %dot_general3A_139 = tpu.matmul %get3A_129, %squeeze3A_137, %dot_general3A_138 {dimension_numbers = #tpu.dot_dimension_numbers<[1], [0], [0], [1], [0, 0, 1, 1], [], []>, transpose_lhs_hint = false} : vector<1024x128xbf16>, vector<128x128xbf16>, vector<1024x128xf32> -> vector<1024x128xf32>
      %get3A_140 = arith.constant 2 : index
      %get3A_141 = arith.constant 0 : index
      %get3A_142 = arith.constant 0 : index
      %get3A_143 = vector.load %arg5[%get3A_140, %get3A_141, %get3A_142] : memref<4x1024x128xbf16, #tpu.memory_space<vmem>>, vector<1x1024x128xbf16>
      %get3A_144 = vector.shape_cast %get3A_143 : vector<1x1024x128xbf16> to vector<1024x128xbf16>
      %slice3A_145 = vector.extract_strided_slice %convert_element_type3A_46 {offsets = [1, 0, 0], sizes = [1, 128, 128], strides = [1, 1, 1]} : vector<3x128x128xbf16> to vector<1x128x128xbf16>
      %squeeze3A_146 = vector.shape_cast %slice3A_145 : vector<1x128x128xbf16> to vector<128x128xbf16>
      %dot_general3A_147 = arith.constant dense<0.000000e+00> : vector<1024x128xf32>
      %dot_general3A_148 = tpu.matmul %get3A_144, %squeeze3A_146, %dot_general3A_147 {dimension_numbers = #tpu.dot_dimension_numbers<[1], [0], [0], [1], [0, 0, 1, 1], [], []>, transpose_lhs_hint = false} : vector<1024x128xbf16>, vector<128x128xbf16>, vector<1024x128xf32> -> vector<1024x128xf32>
      %add3A_149 = arith.addf %dot_general3A_139, %dot_general3A_148 : vector<1024x128xf32>
      %convert_element_type3A_150 = arith.truncf %sub3A_135 : vector<1024x128xf32> to vector<1024x128xbf16>
      %slice3A_151 = vector.extract_strided_slice %convert_element_type3A_46 {offsets = [2, 0, 0], sizes = [1, 128, 128], strides = [1, 1, 1]} : vector<3x128x128xbf16> to vector<1x128x128xbf16>
      %squeeze3A_152 = vector.shape_cast %slice3A_151 : vector<1x128x128xbf16> to vector<128x128xbf16>
      %dot_general3A_153 = arith.constant dense<0.000000e+00> : vector<1024x128xf32>
      %dot_general3A_154 = tpu.matmul %convert_element_type3A_150, %squeeze3A_152, %dot_general3A_153 {dimension_numbers = #tpu.dot_dimension_numbers<[1], [0], [0], [1], [0, 0, 1, 1], [], []>, transpose_lhs_hint = false} : vector<1024x128xbf16>, vector<128x128xbf16>, vector<1024x128xf32> -> vector<1024x128xf32>
      %add3A_155 = arith.addf %add3A_149, %dot_general3A_154 : vector<1024x128xf32>
      %add3A_156 = vector.broadcast %get3A_49 : vector<1x128xf32> to vector<1024x128xf32>
      %add3A_157 = arith.addf %add3A_155, %add3A_156 : vector<1024x128xf32>
      %swap3A_158 = arith.constant 2 : index
      %swap3A_159 = arith.constant 0 : index
      %swap3A_160 = arith.constant 0 : index
      %swap3A_161 = vector.load %arg9[%swap3A_158, %swap3A_159, %swap3A_160] : memref<4x1024x128xf32, #tpu.memory_space<vmem>>, vector<1x1024x128xf32>
      %swap3A_162 = vector.shape_cast %swap3A_161 : vector<1x1024x128xf32> to vector<1024x128xf32>
      %swap3A_163 = vector.shape_cast %add3A_157 : vector<1024x128xf32> to vector<1x1024x128xf32>
      tpu.vector_store %arg9[%swap3A_158, %swap3A_159, %swap3A_160], %swap3A_163 {strides = array<i32>} : memref<4x1024x128xf32, #tpu.memory_space<vmem>>, vector<1x1024x128xf32>,
      %get3A_164 = arith.constant 3 : index
      %get3A_165 = arith.constant 0 : index
      %get3A_166 = arith.constant 0 : index
      %get3A_167 = vector.load %arg4[%get3A_164, %get3A_165, %get3A_166] : memref<4x1024x128xbf16, #tpu.memory_space<vmem>>, vector<1x1024x128xbf16>
      %get3A_168 = vector.shape_cast %get3A_167 : vector<1x1024x128xbf16> to vector<1024x128xbf16>
      %get3A_169 = arith.constant 0 : index
      %get3A_170 = arith.constant 384 : index
      %get3A_171 = vector.load %arg10[%get3A_169, %get3A_170] : memref<1024x512xf32, #tpu.memory_space<vmem>>, vector<1024x128xf32>
      %mul3A_172 = arith.mulf %get3A_171, %get3A_41 : vector<1024x128xf32>
      %convert_element_type3A_173 = arith.extf %get3A_168 : vector<1024x128xbf16> to vector<1024x128xf32>
      %sub3A_174 = arith.subf %mul3A_172, %convert_element_type3A_173 : vector<1024x128xf32>
      %slice3A_175 = vector.extract_strided_slice %convert_element_type3A_46 {offsets = [0, 0, 0], sizes = [1, 128, 128], strides = [1, 1, 1]} : vector<3x128x128xbf16> to vector<1x128x128xbf16>
      %squeeze3A_176 = vector.shape_cast %slice3A_175 : vector<1x128x128xbf16> to vector<128x128xbf16>
      %dot_general3A_177 = arith.constant dense<0.000000e+00> : vector<1024x128xf32>
      %dot_general3A_178 = tpu.matmul %get3A_168, %squeeze3A_176, %dot_general3A_177 {dimension_numbers = #tpu.dot_dimension_numbers<[1], [0], [0], [1], [0, 0, 1, 1], [], []>, transpose_lhs_hint = false} : vector<1024x128xbf16>, vector<128x128xbf16>, vector<1024x128xf32> -> vector<1024x128xf32>
      %get3A_179 = arith.constant 3 : index
      %get3A_180 = arith.constant 0 : index
      %get3A_181 = arith.constant 0 : index
      %get3A_182 = vector.load %arg5[%get3A_179, %get3A_180, %get3A_181] : memref<4x1024x128xbf16, #tpu.memory_space<vmem>>, vector<1x1024x128xbf16>
      %get3A_183 = vector.shape_cast %get3A_182 : vector<1x1024x128xbf16> to vector<1024x128xbf16>
      %slice3A_184 = vector.extract_strided_slice %convert_element_type3A_46 {offsets = [1, 0, 0], sizes = [1, 128, 128], strides = [1, 1, 1]} : vector<3x128x128xbf16> to vector<1x128x128xbf16>
      %squeeze3A_185 = vector.shape_cast %slice3A_184 : vector<1x128x128xbf16> to vector<128x128xbf16>
      %dot_general3A_186 = arith.constant dense<0.000000e+00> : vector<1024x128xf32>
      %dot_general3A_187 = tpu.matmul %get3A_183, %squeeze3A_185, %dot_general3A_186 {dimension_numbers = #tpu.dot_dimension_numbers<[1], [0], [0], [1], [0, 0, 1, 1], [], []>, transpose_lhs_hint = false} : vector<1024x128xbf16>, vector<128x128xbf16>, vector<1024x128xf32> -> vector<1024x128xf32>
      %add3A_188 = arith.addf %dot_general3A_178, %dot_general3A_187 : vector<1024x128xf32>
      %convert_element_type3A_189 = arith.truncf %sub3A_174 : vector<1024x128xf32> to vector<1024x128xbf16>
      %slice3A_190 = vector.extract_strided_slice %convert_element_type3A_46 {offsets = [2, 0, 0], sizes = [1, 128, 128], strides = [1, 1, 1]} : vector<3x128x128xbf16> to vector<1x128x128xbf16>
      %squeeze3A_191 = vector.shape_cast %slice3A_190 : vector<1x128x128xbf16> to vector<128x128xbf16>
      %dot_general3A_192 = arith.constant dense<0.000000e+00> : vector<1024x128xf32>
      %dot_general3A_193 = tpu.matmul %convert_element_type3A_189, %squeeze3A_191, %dot_general3A_192 {dimension_numbers = #tpu.dot_dimension_numbers<[1], [0], [0], [1], [0, 0, 1, 1], [], []>, transpose_lhs_hint = false} : vector<1024x128xbf16>, vector<128x128xbf16>, vector<1024x128xf32> -> vector<1024x128xf32>
      %add3A_194 = arith.addf %add3A_188, %dot_general3A_193 : vector<1024x128xf32>
      %add3A_195 = vector.broadcast %get3A_49 : vector<1x128xf32> to vector<1024x128xf32>
      %add3A_196 = arith.addf %add3A_194, %add3A_195 : vector<1024x128xf32>
      %swap3A_197 = arith.constant 3 : index
      %swap3A_198 = arith.constant 0 : index
      %swap3A_199 = arith.constant 0 : index
      %swap3A_200 = vector.load %arg9[%swap3A_197, %swap3A_198, %swap3A_199] : memref<4x1024x128xf32, #tpu.memory_space<vmem>>, vector<1x1024x128xf32>
      %swap3A_201 = vector.shape_cast %swap3A_200 : vector<1x1024x128xf32> to vector<1024x128xf32>
      %swap3A_202 = vector.shape_cast %add3A_196 : vector<1024x128xf32> to vector<1x1024x128xf32>
      tpu.vector_store %arg9[%swap3A_197, %swap3A_198, %swap3A_199], %swap3A_202 {strides = array<i32>} : memref<4x1024x128xf32, #tpu.memory_space<vmem>>, vector<1x1024x128xf32>,
    } else {
    }
    return
  }
  func.func @transform_0(%arg0: i32, %arg1: i32) -> (i32, i32) {
    %c0_i32 = arith.constant 0 : i32
    return %arg0, %arg1 : i32, i32
  }
  func.func @transform_1(%arg0: i32, %arg1: i32) -> (i32, i32) {
    %c0_i32 = arith.constant 0 : i32
    %c0_i32_0 = arith.constant 0 : i32
    %c0_i32_1 = arith.constant 0 : i32
    return %c0_i32, %c0_i32_0 : i32, i32
  }
  func.func @transform_2(%arg0: i32, %arg1: i32) -> (i32, i32, i32) {
    %c0_i32 = arith.constant 0 : i32
    %c0_i32_0 = arith.constant 0 : i32
    %c0_i32_1 = arith.constant 0 : i32
    return %c0_i32, %arg0, %c0_i32_0 : i32, i32, i32
  }
  func.func @transform_3(%arg0: i32, %arg1: i32) -> (i32, i32, i32) {
    %c0_i32 = arith.constant 0 : i32
    %c0_i32_0 = arith.constant 0 : i32
    %c0_i32_1 = arith.constant 0 : i32
    return %c0_i32, %arg0, %c0_i32_0 : i32, i32, i32
  }
  func.func @transform_4(%arg0: i32, %arg1: i32) -> (i32, i32, i32) {
    %c2_i32 = arith.constant 2 : i32
    %c0_i32 = arith.constant 0 : i32
    %c0_i32_0 = arith.constant 0 : i32
    return %c2_i32, %arg0, %c0_i32 : i32, i32, i32
  }
  func.func @transform_5(%arg0: i32, %arg1: i32) -> (i32, i32, i32) {
    %c0_i32 = arith.constant 0 : i32
    %c0_i32_0 = arith.constant 0 : i32
    %c0_i32_1 = arith.constant 0 : i32
    %c0_i32_2 = arith.constant 0 : i32
    return %c0_i32, %c0_i32_0, %c0_i32_1 : i32, i32, i32
  }
  func.func @transform_6(%arg0: i32, %arg1: i32) -> (i32, i32) {
    %c0_i32 = arith.constant 0 : i32
    %c0_i32_0 = arith.constant 0 : i32
    %c0_i32_1 = arith.constant 0 : i32
    return %c0_i32, %c0_i32_0 : i32, i32
  }
  func.func @transform_7(%arg0: i32, %arg1: i32) -> (i32, i32, i32) {
    %c0_i32 = arith.constant 0 : i32
    %c0_i32_0 = arith.constant 0 : i32
    %c0_i32_1 = arith.constant 0 : i32
    return %c0_i32, %arg0, %c0_i32_0 : i32, i32, i32
  }
}

</mosaic_0001>

<sc_bundles>
// kernel: kernel.7.cloned.1.call-start
scs
__scs_entry_jumppad:
0x0: {  	(pc) =	sbr.rel $0x88, $3  }
0x1: {  	(tag) =	ssettag $0x0;
	lr =	simm.s32 $0x1  }
0x2: {  	[smem:$0x3F9C] =	sst lr;
	_ =	strace $0xD0000000  }
0x3: {  	_ = 	snop  }
0x4: {  	_ = 	snop  }
0x5: {  	_ = 	snop  }
0x6: {  	_ = 	snop  }
0x7: {  	_ = 	snop  }
__scs_overlays_trampoline_lowered:
0x8: {  	[smem:$0x3FAB] =	sst s0  }
0x9: {  	[smem:$0x3FAC] =	sst s1  }
0xa: {  	[smem:$0x3FAD] =	sst s2  }
0xb: {  	[smem:$0x3FAE] =	sst s3  }
0xc: {  	[smem:$0x3FAF] =	sst s4  }
0xd: {  	[smem:$0x3FB0] =	sst s5  }
0xe: {  	[smem:$0x3FB1] =	sst s6  }
0xf: {  	[smem:$0x3FB2] =	sst s7  }
0x10: {  	[smem:$0x3FB3] =	sst s8  }
0x11: {  	[smem:$0x3FB4] =	sst s9;
	s0 =	simm.s32 @!p0 $0x0  }
0x12: {  	s1 =	sld [smem:$0x3F9A];
	s0 =	simm.s32 @p0 $0x1  }
0x13: {  	[smem:$0x3FB5] =	sst s0;
	s0 =	simm.s32 @!p1 $0x0  }
0x14: {  	s2 =	sld [smem:$0x3F99];
	s0 =	simm.s32 @p1 $0x1  }
0x15: {  	[smem:$0x3FB6] =	sst s0;
	s0 =	simm.s32 @!p2 $0x0  }
0x16: {  	s3 =	sld [smem:$0x3FDB];
	s0 =	simm.s32 @p2 $0x1  }
0x17: {  	s4 =	simm.s32 $0x1BF5;
	[smem:$0x3FB8] =	sst s0  }
0x18: {  	s0 =	sld [smem:$0x3F9B];
	_ =	swait.ge [sflag:s4], $0x0  }
0x19: {  	s7 =	sld [smem:$0x3F9C]  }
0x1a: {  	s8 =	sadd.s32 $0xFFFFE003, lr  }
0x1b: {  	s9 =	sadd.s32 $0xFFFFFEF7, lr;
	s5 =	simm.s32 $0xFFFFFFFF;
	p2 =	slt.u32 s8, $0xFFFFF086  }
0x1c: {  	p1 =	slt.u32 s9, $0xF7A;
	s5 =	simm.s32 @!p2 $0x0  }
0x1d: {  	s5 =	simm.s32 @p1 $0x1;
	p0 =	seq.s32 s7, s2  }
0x1e: {  	s7 =	smul.u32 @!p0 $0xF7A, s2;
	p2 =	seq.s32 @!p0 s5, $0x0  }
0x1f: {  	s9 =	smul.u32 $0xF7A, s1;
	s8 =	simm.s32 @!p0 $0x1BF5;
	p2 =	por !p2, p0  }
0x20: {  	[sflag:s8] =	ssyncset.s32 @!p0 $0xFFFFF086;
	s6 =	sadd.s32 @!p0 s3, s7;
	s7 =	simm.s32 @!p0 $0x108  }
0x21: {  	s3 =	sadd.s32 s3, s9;
	s6 =	sadd.s32 @!p0 $0x88, s6;
	s7 =	simm.s32 @p2 $0x1082  }
0x22: {  	[simem:s7], [sflag:s8] =	dma.local @!p0 [hbm:s6], $0xF7A  }
0x23: {  	s9 =	sor.u32 $0xD0000000, s2;
	s6 =	simm.s32 $0x108;
	_ =	swait.ge @!p0 [sflag:s8], $0x0  }
0x24: {  	s3 =	sadd.s32 $0x88, s3;
	s6 =	simm.s32 @!p1 $0x1082;
	[sflag:s4] =	ssyncset.s32 $0xFFFFF086  }
0x25: {  	[simem:s6], [sflag:s4] =	dma.local [hbm:s3], $0xF7A  }
0x26: {  	[smem:$0x3F9C] =	sst s1;
	(tag) =	ssettag s2;
	_ =	strace s9  }
0x27: {  	s1 =	sld [smem:$0x3FAC]  }
0x28: {  	s2 =	sld [smem:$0x3FAD]  }
0x29: {  	s4 =	sld [smem:$0x3FAF]  }
0x2a: {  	p0 =	seq.s32 s5, $0x0;
	s5 =	sld [smem:$0x3FB0]  }
0x2b: {  	s6 =	sld [smem:$0x3FB1]  }
0x2c: {  	s7 =	sld [smem:$0x3FB2]  }
0x2d: {  	s3 =	simm.s32 $0x108;
	s8 =	sld [smem:$0x3FB3]  }
0x2e: {  	s3 =	simm.s32 @!p0 $0x1082;
	s9 =	sld [smem:$0x3FB4]  }
0x2f: {  	lr =	sadd.s32 s0, s3;
	s0 =	sld [smem:$0x3FAB]  }
0x30: {  	s3 =	sld [smem:$0x3FAE]  }
0x31: {  	[smem:$0x3FB7] =	sst s10  }
0x32: {  	s10 =	sld [smem:$0x3FB5];
	_ =	sdelay $0x3  }
0x33: {  	p0 =	seq.s32 s10, $0x1;
	s10 =	sld [smem:$0x3FB7];
	_ =	sdelay $0x3  }
0x34: {  	[smem:$0x3FB7] =	sst s10  }
0x35: {  	s10 =	sld [smem:$0x3FB6];
	_ =	sdelay $0x3  }
0x36: {  	p1 =	seq.s32 s10, $0x1;
	s10 =	sld [smem:$0x3FB7];
	_ =	sdelay $0x3  }
0x37: {  	[smem:$0x3FB7] =	sst s10  }
0x38: {  	s10 =	sld [smem:$0x3FB8]  }
0x39: {  	_ = 	snop;
	(pc) =	sbr.ind lr, $3  }
0x3a: {  	_ = 	snop  }
0x3b: {  	_ = 	snop  }
0x3c: {  	p2 =	seq.s32 s10, $0x1;
	s10 =	sld [smem:$0x3FB7]  }
0x3d: {  	_ =	shalt  }
0x3e: {  	_ =	shalt  }
0x3f: {  	_ =	shalt  }
0x40: {  	_ =	shalt  }
0x41: {  	_ =	shalt  }
0x42: {  	_ =	shalt  }
0x43: {  	_ =	shalt  }
0x44: {  	_ =	shalt  }
0x45: {  	_ =	shalt  }
0x46: {  	_ =	shalt  }
0x47: {  	_ =	shalt  }
0x48: {  	_ =	shalt  }
0x49: {  	_ =	shalt  }
0x4a: {  	_ =	shalt  }
0x4b: {  	_ =	shalt  }
0x4c: {  	_ =	shalt  }
0x4d: {  	_ =	shalt  }
0x4e: {  	_ =	shalt  }
0x4f: {  	_ =	shalt  }
0x50: {  	_ =	shalt  }
0x51: {  	_ =	shalt  }
0x52: {  	_ =	shalt  }
0x53: {  	_ =	shalt  }
0x54: {  	_ =	shalt  }
0x55: {  	_ =	shalt  }
0x56: {  	_ =	shalt  }
0x57: {  	_ =	shalt  }
0x58: {  	_ =	shalt  }
0x59: {  	_ =	shalt  }
0x5a: {  	_ =	shalt  }
0x5b: {  	_ =	shalt  }
0x5c: {  	_ =	shalt  }
0x5d: {  	_ =	shalt  }
0x5e: {  	_ =	shalt  }
0x5f: {  	_ =	shalt  }
0x60: {  	_ =	shalt  }
0x61: {  	_ =	shalt  }
0x62: {  	_ =	shalt  }
0x63: {  	_ =	shalt  }
0x64: {  	_ =	shalt  }
0x65: {  	_ =	shalt  }
0x66: {  	_ =	shalt  }
0x67: {  	_ =	shalt  }
0x68: {  	_ =	shalt  }
0x69: {  	_ =	shalt  }
0x6a: {  	_ =	shalt  }
0x6b: {  	_ =	shalt  }
0x6c: {  	_ =	shalt  }
0x6d: {  	_ =	shalt  }
0x6e: {  	_ =	shalt  }
0x6f: {  	_ =	shalt  }
0x70: {  	_ =	shalt  }
0x71: {  	_ =	shalt  }
0x72: {  	_ =	shalt  }
0x73: {  	_ =	shalt  }
0x74: {  	_ =	shalt  }
0x75: {  	_ =	shalt  }
0x76: {  	_ =	shalt  }
0x77: {  	_ =	shalt  }
0x78: {  	_ =	shalt  }
0x79: {  	_ =	shalt  }
0x7a: {  	_ =	shalt  }
0x7b: {  	_ =	shalt  }
0x7c: {  	_ =	shalt  }
0x7d: {  	_ =	shalt  }
0x7e: {  	_ =	shalt  }
0x7f: {  	_ =	shalt  }
0x80: {  	_ =	shalt  }
0x81: {  	_ =	shalt  }
0x82: {  	_ =	shalt  }
0x83: {  	_ =	shalt  }
0x84: {  	_ =	shalt  }
0x85: {  	_ =	shalt  }
0x86: {  	_ =	shalt  }
0x87: {  	_ =	shalt  }
.Lfunc_end0:
.L_simem_size_0:
called_computation_lowered:
.L_overlay_start_0:
0x88: {  	s2 =	sld [smem:$0x3FD9]  }
0x89: {  	s3 =	sld [smem:$0x3FFE];
	_ =	sdelay $0x1  }
0x8a: {  	s1 =	srdreg.scid  }
0x8b: {  	s0 =	sand.u32 $0x1, s1  }
0x8c: {  	s17 =	sshll.u32 s0, $0xA;
	s2 =	sadd.s32 s3, s2  }
0x8d: {  	s2 =	sadd.s32 s2, s17  }
0x8e: {  	[smem:$0x3FC3] =	sst s2  }
0x8f: {  	_ = 	snop  }
0x90: {  	s2 =	sld [smem:$0x3FD0];
	(tm) =	ssettm $0x1  }
0x91: {  	s18 =	sld [smem:$0x3FFB];
	_ =	sdelay $0x3  }
0x92: {  	_ =	strace s18  }
0x93: {  	s3 =	sld [smem:$0x3FFC];
	_ =	sdelay $0x3  }
0x94: {  	_ =	strace s3  }
0x95: {  	s3 =	sld [smem:$0x3FFD];
	_ =	sdelay $0x3  }
0x96: {  	_ =	strace s3  }
0x97: {  	_ =	strace $0x8FFFFFFF  }
0x98: {  	s19 =	sld [smem:$0x3FDB];
	_ =	sdelay $0x1  }
0x99: {  	s4 =	simm.s32 $_scs_section_size  }
0x9a: {  	s5 =	simm.s32 $_size__tile_overlayer_lowered;
	s6 =	simm.s32 $_tile_overlayer_lowered  }
0x9b: {  	s22 =	simm.s32 $0x1BFF;
	s21 =	sshll.u32 s6, $0x1;
	s3 =	sadd.s32 s4, s19  }
0x9c: {  	s7 =	simm.s32 $0x0;
	s20 =	sshll.u32 s5, $0x1;
	s5 =	sadd.s32 s21, s3  }
0x9d: {  	[timem:s7], [sflag:s22] =	dma.local [hbm:s5], s20  }
0x9e: {  	_ =	swait.ge [sflag:s22], s20  }
0x9f: {  	s4 =	ssub.s32 $0x0, s20;
	[sflag:s22] =	ssyncset.done $0x0  }
0xa0: {  	[sflag:s22] =	ssyncadd.s32 s4;
	_ =	sdelay $0x1  }
0xa1: {  	s23 =	simm.s32 $0x1B8B  }
0xa2: {  	_ =	swait.ge [sflag:s23], $0x1  }
0xa3: {  	[sflag:s23] =	ssyncset.done $0x0  }
0xa4: {  	s25 =	simm.s32 $0x1B8E;
	s24 =	sld [smem:$0x3FFE];
	[sflag:s23] =	ssyncadd.s32 $0xFFFFFFFF  }
0xa5: {  	s26 =	simm.s32 $execute0_lowered;
	[smem:$0x3FD2] =	sst s25  }
0xa6: {  	s5 =	sshll.u32 s26, $0x1;
	_ =	strace $0x80000046;
	[dreg:$0x1] =	wrdreg $0xFFFFFFFF  }
0xa7: {  	s28 =	simm.s32 $_size_execute0_lowered;
	s3 =	sadd.s32 s3, s5;
	[dreg:$0x0] =	wrdreg $0x0  }
0xa8: {  	s5 =	sshll.u32 s28, $0x1;
	[dreg:$0x2] =	wrdreg s3  }
0xa9: {  	[dreg:$0x3] =	wrdreg s5  }
0xaa: {  	[dreg:$0x4] =	wrdreg $0xC0  }
0xab: {  	_ =	task [dreg:s7], $0x5FFFF  }
0xac: {  	[dreg:$0x1] =	wrdreg $0xFFFFFFFF  }
0xad: {  	[dreg:$0x0] =	wrdreg $0x60  }
0xae: {  	[dreg:$0x2] =	wrdreg s24  }
0xaf: {  	[dreg:$0x3] =	wrdreg s2  }
0xb0: {  	[dreg:$0x4] =	wrdreg $0x9  }
0xb1: {  	_ =	task.clear_ibuf [dreg:s7], $0x5FFFF;
	_ =	strace $0x90000046  }
0xb2: {  	s29 =	simm.s32 $0x9;
	_ =	strace $0x80000048  }
0xb3: {  	_ =	swait.ge [sflag:s29], $0x1  }
0xb4: {  	[sflag:s29] =	ssyncadd.s32 $0xFFFFFFFF  }
0xb5: {  	_ =	strace $0x90000048  }
0xb6: {  	_ =	sfence  }
0xb7: {  	s30 =	sld [smem:$0x0];
	_ =	sdelay $0x2  }
0xb8: {  	s31 =	sshll.u32 s1, $0xD;
	s1 =	sshrl.u32 s1, $0x2  }
0xb9: {  	s3 =	sand.u32 $0x4000, s31;
	s1 =	sadd.s32 s1, s30  }
0xba: {  	s0 =	sor.u32 s3, s0;
	s1 =	sshll.u32 s1, $0x11  }
0xbb: {  	s0 =	sor.u32 s1, s0  }
0xbc: {  	s0 =	sadd.s32 $0x8F2B, s0  }
0xbd: {  	[sflag:s0] =	ssyncadd.remote.s32 $0x1  }
0xbe: {  	_ =	sfence.sel $0xFFFF  }
0xbf: {  	[dreg:$0x0] =	wrdreg $0xFFFFFFFF;
	(pc) =	sbr.abs _section_cstart, $3  }
0xc0: {  	[dreg:$0x1] =	wrdreg $0xFFFFFFFF  }
0xc1: {  	_ =	task.clear_ibuf [dreg:s7], $0x2FFFF;
	_ =	strace $0x9FFFFFFF  }
0xc2: {  	(tm) =	ssettm $0x7FFFFFFF  }
0xc3: {  	_ =	shalt  }
tec
execute0_lowered:
.L_overlay_start_1:
0x0: {  	(tag) =	ssettag $0x1  }
0x1: {  	s5 =	rddreg [dreg:$0x0]  }
0x2: {  	s2 =	rddreg [dreg:$0x1];
	s3 =	srdreg.scid  }
0x3: {  	s0 =	rddreg [dreg:$0x2];
	s1 =	stileid.u32  }
0x4: {  	s9 =	simm.s32 $0x2;
	s11 =	simm.s32 $0x4;
	s12 =	simm.s32 $0x0  }
0x5: {  	s4 =	sand.u32 $0x1, s3;
	s3 =	simm.s32 $0x0;
	s6 =	sshll.u32 s1, $0x7  }
0x6: {  	s7 =	sshll.u32 s4, $0x6;
	[smem:$0x7FF] =	sst s3;
	s31 =	ssub.s32 $0x2, s4  }
0x7: {  	s4 =	sadd.s32 $0xE00, s5;
	s10 =	sor.u32 s7, s6;
	s8 =	sshrl.u32 s31, $0x1  }
0x8: {  	_ =	strace $0x80000047;
	s6 =	sshll.u32 s10, $0x7;
	s7 =	ssub.s32 s31, s8  }
0x9: {  	s8 =	simm.s32 $0x1;
	v0 =	vmov s10;
	s10 =	simm.s32 $0x3;
	s6 =	sadd.s32 s6, s5  }
0xa: {  	v1 =	vimm.s32 $0x1;
	s5 =	sadd.s32 $0x1600, s5;
	s7 =	smax.u32 s7, $0x1;
	s6 =	sadd.s32 $0x1E00, s6  }
.LBB2_1:
0xb: {  	[tilespmem:s3], [sflag:$0x1] =	stream.linear.gather [hbm4b:s2+s3], $0x10000, $0x38;
	[tilespmem:$0x18000] =	vst v63  }
0xc: {  	s13 =	simm.s32 $0x10000  }
0xd: {  	s14 =	simm.s32 $0x10;
	s16 =	sadd.s32 $0x0, s4;
	s15 =	simm.s32 $0x10100  }
.LBB2_2:
0xe: {  	[tilespmem:s13], [sflag:$0x2] =	stream.linear.gather [hbm4b:s16+s3], $0x80, $0x38;
	[tilespmem:$0x18000] =	vst v63  }
0xf: {  	s16 =	smov.u32 s14;
	s13 =	smov.u32 s15;
	p0 =	sne.s32 s14, $0x7F0  }
.Ltmp0:
0x10: {  	s14 =	sadd.s32 $0x10, s14;
	(pc) =	sbr.rel @p0 .LBB2_2-.Ltmp0, $2  }
0x11: {  	_ =	sdelay $0x2  }
0x12: {  	s15 =	sadd.s32 $0x100, s15;
	s16 =	sadd.s32 s16, s4  }
0x13: {  	[tilespmem:s13], [sflag:$0x2] =	stream.linear.gather [hbm4b:s16+s3], $0x80, $0x38;
	[tilespmem:$0x18000] =	vst v63  }
0x14: {  	_ =	swait.ge [sflag:s8], $0x10000  }
0x15: {  	s13 =	simm.s32 $0x10080;
	s14 =	simm.s32 $0x10;
	[sflag:s8] =	ssyncset.done $0x0  }
0x16: {  	s16 =	sadd.s32 $0x0, s5;
	s15 =	simm.s32 $0x10180;
	[sflag:s8] =	ssyncadd.s32 $0xFFFF0000  }
.LBB2_4:
0x17: {  	[tilespmem:s13], [sflag:$0x3] =	stream.linear.gather [hbm4b:s16+s3], $0x80, $0x38;
	[tilespmem:$0x18000] =	vst v63  }
0x18: {  	s16 =	smov.u32 s14;
	s13 =	smov.u32 s15;
	p0 =	sne.s32 s14, $0x7F0  }
.Ltmp1:
0x19: {  	s14 =	sadd.s32 $0x10, s14;
	(pc) =	sbr.rel @p0 .LBB2_4-.Ltmp1, $2  }
0x1a: {  	_ =	sdelay $0x2  }
0x1b: {  	s15 =	sadd.s32 $0x100, s15;
	s16 =	sadd.s32 s16, s5  }
0x1c: {  	[tilespmem:s13], [sflag:$0x3] =	stream.linear.gather [hbm4b:s16+s3], $0x80, $0x38;
	[tilespmem:$0x18000] =	vst v63  }
0x1d: {  	_ =	swait.ge [sflag:s9], $0x4000  }
0x1e: {  	[sflag:s9] =	ssyncset.done $0x0  }
0x1f: {  	s13 =	simm.s32 $0xFFFFFFF8;
	s14 =	simm.s32 $0x10040;
	[sflag:s9] =	ssyncadd.s32 $0xFFFFC000  }
.LBB2_6:
0x20: {  	v2 =	vld [tilespmem:s14+$0xFFFFFFC0];
	_ =	sdelay $0x4  }
0x21: {  	v3 =	vshll.u32 v2, $0x3;
	v4 =	vshrl.u32 v2, $0xB;
	v5 =	vand.u32 $0x7F, v2  }
0x22: {  	v27 =	vand.u32 $0x7FF, v2;
	v2 =	vshrl.u32 v2, $0x4;
	v3 =	vand.u32 $0x1C00, v3  }
0x23: {  	v6 =	vsub.s32 v4, v0;
	vm1 =	vne.s32 v4, v27;
	v2 =	vand.u32 $0x380, v2  }
0x24: {  	v3 =	vor.u32 v5, v3;
	vm0 =	vlt.u32 v6, $0x40;
	v28 =	vshll.u32 v6, $0xA  }
0x25: {  	vm0 =	vmand vm1, vm0;
	v4 =	vand.u32 $0xFFFFE000, v28;
	v2 =	vor.u32 v2, v3  }
0x26: {  	v2 =	vor.u32 v4, v2;
	_ =	sdelay $0x2  }
0x27: {  	vm6 =	vgt.u32 v27, $0x3FF  }
0x28: {  	v3 =	vsel vm6, $0x10000, v1  }
0x29: {  	[tilespmem:v2+s3+$0x0] =	vst.idx.add.s32.msk vm0, v3  }
0x2a: {  	v2 =	vld [tilespmem:s14+$0xFFFFFFD0];
	_ =	sdelay $0x4  }
0x2b: {  	v3 =	vshll.u32 v2, $0x3;
	v29 =	vshrl.u32 v2, $0xB;
	v30 =	vand.u32 $0x7F, v2  }
0x2c: {  	v32 =	vand.u32 $0x7FF, v2;
	v2 =	vshrl.u32 v2, $0x4;
	v3 =	vand.u32 $0x1C00, v3  }
0x2d: {  	v31 =	vsub.s32 v29, v0;
	vm8 =	vne.s32 v29, v32;
	v2 =	vand.u32 $0x380, v2  }
0x2e: {  	v3 =	vor.u32 v30, v3;
	vm7 =	vlt.u32 v31, $0x40;
	v33 =	vshll.u32 v31, $0xA  }
0x2f: {  	vm0 =	vmand vm8, vm7;
	v4 =	vand.u32 $0xFFFFE000, v33;
	v2 =	vor.u32 v2, v3  }
0x30: {  	v2 =	vor.u32 v4, v2;
	_ =	sdelay $0x2  }
0x31: {  	vm9 =	vgt.u32 v32, $0x3FF  }
0x32: {  	v3 =	vsel vm9, $0x10000, v1  }
0x33: {  	[tilespmem:v2+s3+$0x0] =	vst.idx.add.s32.msk vm0, v3  }
0x34: {  	v2 =	vld [tilespmem:s14+$0xFFFFFFE0];
	_ =	sdelay $0x4  }
0x35: {  	v3 =	vshll.u32 v2, $0x3;
	v34 =	vshrl.u32 v2, $0xB;
	v35 =	vand.u32 $0x7F, v2  }
0x36: {  	v37 =	vand.u32 $0x7FF, v2;
	v2 =	vshrl.u32 v2, $0x4;
	v3 =	vand.u32 $0x1C00, v3  }
0x37: {  	v36 =	vsub.s32 v34, v0;
	vm11 =	vne.s32 v34, v37;
	v2 =	vand.u32 $0x380, v2  }
0x38: {  	v3 =	vor.u32 v35, v3;
	vm10 =	vlt.u32 v36, $0x40;
	v38 =	vshll.u32 v36, $0xA  }
0x39: {  	vm0 =	vmand vm11, vm10;
	v4 =	vand.u32 $0xFFFFE000, v38;
	v2 =	vor.u32 v2, v3  }
0x3a: {  	v2 =	vor.u32 v4, v2;
	_ =	sdelay $0x2  }
0x3b: {  	vm12 =	vgt.u32 v37, $0x3FF  }
0x3c: {  	v3 =	vsel vm12, $0x10000, v1  }
0x3d: {  	[tilespmem:v2+s3+$0x0] =	vst.idx.add.s32.msk vm0, v3  }
0x3e: {  	v2 =	vld [tilespmem:s14+$0xFFFFFFF0];
	_ =	sdelay $0x4  }
0x3f: {  	v3 =	vshll.u32 v2, $0x3;
	v39 =	vshrl.u32 v2, $0xB;
	v40 =	vand.u32 $0x7F, v2  }
0x40: {  	v42 =	vand.u32 $0x7FF, v2;
	v2 =	vshrl.u32 v2, $0x4;
	v3 =	vand.u32 $0x1C00, v3  }
0x41: {  	v41 =	vsub.s32 v39, v0;
	vm14 =	vne.s32 v39, v42;
	v2 =	vand.u32 $0x380, v2  }
0x42: {  	v3 =	vor.u32 v40, v3;
	vm13 =	vlt.u32 v41, $0x40;
	v43 =	vshll.u32 v41, $0xA  }
0x43: {  	vm0 =	vmand vm14, vm13;
	v4 =	vand.u32 $0xFFFFE000, v43;
	v2 =	vor.u32 v2, v3  }
0x44: {  	v2 =	vor.u32 v4, v2;
	_ =	sdelay $0x2  }
0x45: {  	vm15 =	vgt.u32 v42, $0x3FF  }
0x46: {  	v3 =	vsel vm15, $0x10000, v1  }
0x47: {  	[tilespmem:v2+s3+$0x0] =	vst.idx.add.s32.msk vm0, v3  }
0x48: {  	v2 =	vld [tilespmem:s14+$0x0];
	_ =	sdelay $0x4  }
0x49: {  	v3 =	vshll.u32 v2, $0x3;
	v44 =	vshrl.u32 v2, $0xB;
	v45 =	vand.u32 $0x7F, v2  }
0x4a: {  	v47 =	vand.u32 $0x7FF, v2;
	v2 =	vshrl.u32 v2, $0x4;
	v3 =	vand.u32 $0x1C00, v3  }
0x4b: {  	v46 =	vsub.s32 v44, v0;
	vm5 =	vne.s32 v44, v47;
	v2 =	vand.u32 $0x380, v2  }
0x4c: {  	v3 =	vor.u32 v45, v3;
	vm4 =	vlt.u32 v46, $0x40;
	v48 =	vshll.u32 v46, $0xA  }
0x4d: {  	vm0 =	vmand vm5, vm4;
	v4 =	vand.u32 $0xFFFFE000, v48;
	v2 =	vor.u32 v2, v3  }
0x4e: {  	v2 =	vor.u32 v4, v2;
	_ =	sdelay $0x2  }
0x4f: {  	vm6 =	vgt.u32 v47, $0x3FF  }
0x50: {  	v3 =	vsel vm6, $0x10000, v1  }
0x51: {  	[tilespmem:v2+s3+$0x0] =	vst.idx.add.s32.msk vm0, v3  }
0x52: {  	v2 =	vld [tilespmem:s14+$0x10];
	_ =	sdelay $0x4  }
0x53: {  	v3 =	vshll.u32 v2, $0x3;
	v49 =	vshrl.u32 v2, $0xB;
	v50 =	vand.u32 $0x7F, v2  }
0x54: {  	v52 =	vand.u32 $0x7FF, v2;
	v2 =	vshrl.u32 v2, $0x4;
	v3 =	vand.u32 $0x1C00, v3  }
0x55: {  	v51 =	vsub.s32 v49, v0;
	vm8 =	vne.s32 v49, v52;
	v2 =	vand.u32 $0x380, v2  }
0x56: {  	v3 =	vor.u32 v50, v3;
	vm7 =	vlt.u32 v51, $0x40;
	v53 =	vshll.u32 v51, $0xA  }
0x57: {  	vm0 =	vmand vm8, vm7;
	v4 =	vand.u32 $0xFFFFE000, v53;
	v2 =	vor.u32 v2, v3  }
0x58: {  	v2 =	vor.u32 v4, v2;
	_ =	sdelay $0x2  }
0x59: {  	vm9 =	vgt.u32 v52, $0x3FF  }
0x5a: {  	v3 =	vsel vm9, $0x10000, v1  }
0x5b: {  	[tilespmem:v2+s3+$0x0] =	vst.idx.add.s32.msk vm0, v3  }
0x5c: {  	v2 =	vld [tilespmem:s14+$0x20];
	_ =	sdelay $0x4  }
0x5d: {  	v3 =	vshll.u32 v2, $0x3;
	v54 =	vshrl.u32 v2, $0xB;
	v55 =	vand.u32 $0x7F, v2  }
0x5e: {  	v57 =	vand.u32 $0x7FF, v2;
	v2 =	vshrl.u32 v2, $0x4;
	v3 =	vand.u32 $0x1C00, v3  }
0x5f: {  	v56 =	vsub.s32 v54, v0;
	vm11 =	vne.s32 v54, v57;
	v2 =	vand.u32 $0x380, v2  }
0x60: {  	v3 =	vor.u32 v55, v3;
	vm10 =	vlt.u32 v56, $0x40;
	v58 =	vshll.u32 v56, $0xA  }
0x61: {  	vm0 =	vmand vm11, vm10;
	v4 =	vand.u32 $0xFFFFE000, v58;
	v2 =	vor.u32 v2, v3  }
0x62: {  	v2 =	vor.u32 v4, v2;
	_ =	sdelay $0x2  }
0x63: {  	vm12 =	vgt.u32 v57, $0x3FF  }
0x64: {  	v3 =	vsel vm12, $0x10000, v1  }
0x65: {  	[tilespmem:v2+s3+$0x0] =	vst.idx.add.s32.msk vm0, v3  }
0x66: {  	v2 =	vld [tilespmem:s14+$0x30];
	_ =	sdelay $0x4  }
0x67: {  	v3 =	vshll.u32 v2, $0x3;
	v59 =	vshrl.u32 v2, $0xB;
	v60 =	vand.u32 $0x7F, v2  }
0x68: {  	v62 =	vand.u32 $0x7FF, v2;
	v2 =	vshrl.u32 v2, $0x4;
	v3 =	vand.u32 $0x1C00, v3  }
0x69: {  	v61 =	vsub.s32 v59, v0;
	vm14 =	vne.s32 v59, v62;
	v2 =	vand.u32 $0x380, v2  }
0x6a: {  	v3 =	vor.u32 v60, v3;
	vm13 =	vlt.u32 v61, $0x40;
	v63 =	vshll.u32 v61, $0xA  }
0x6b: {  	s13 =	sadd.s32 $0x8, s13;
	vm0 =	vmand vm14, vm13;
	v4 =	vand.u32 $0xFFFFE000, v63;
	v2 =	vor.u32 v2, v3  }
0x6c: {  	p0 =	slt.u32 s13, $0x3F8;
	v2 =	vor.u32 v4, v2  }
.Ltmp2:
0x6d: {  	_ = 	snop;
	(pc) =	sbr.rel @p0 .LBB2_6-.Ltmp2, $4  }
0x6e: {  	_ = 	snop  }
0x6f: {  	vm15 =	vgt.u32 v62, $0x3FF  }
0x70: {  	v3 =	vsel vm15, $0x10000, v1  }
0x71: {  	s14 =	sadd.s32 $0x100, s14;
	[tilespmem:v2+s3+$0x0] =	vst.idx.add.s32.msk vm0, v3  }
0x72: {  	_ =	swait.ge [sflag:s10], $0x4000  }
0x73: {  	[sflag:s10] =	ssyncset.done $0x0  }
0x74: {  	s13 =	simm.s32 $0xFFFFFFF8;
	s14 =	simm.s32 $0x100F0;
	[sflag:s10] =	ssyncadd.s32 $0xFFFFC000  }
.LBB2_8:
0x75: {  	v2 =	vld [tilespmem:s14+$0xFFFFFF90];
	_ =	sdelay $0x4  }
0x76: {  	v3 =	vshll.u32 v2, $0x3;
	v4 =	vshrl.u32 v2, $0xB;
	v5 =	vand.u32 $0x7F, v2  }
0x77: {  	v27 =	vand.u32 $0x7FF, v2;
	v2 =	vshrl.u32 v2, $0x4;
	v3 =	vand.u32 $0x1C00, v3  }
0x78: {  	v6 =	vsub.s32 v4, v0;
	vm1 =	vne.s32 v4, v27;
	v2 =	vand.u32 $0x380, v2  }
0x79: {  	v3 =	vor.u32 v5, v3;
	vm0 =	vlt.u32 v6, $0x40;
	v28 =	vshll.u32 v6, $0xA  }
0x7a: {  	vm0 =	vmand vm1, vm0;
	v4 =	vand.u32 $0xFFFFE000, v28;
	v2 =	vor.u32 v2, v3  }
0x7b: {  	v2 =	vor.u32 v4, v2;
	_ =	sdelay $0x2  }
0x7c: {  	vm6 =	vgt.u32 v27, $0x3FF  }
0x7d: {  	v3 =	vsel vm6, $0x10000, v1  }
0x7e: {  	[tilespmem:v2+s3+$0x0] =	vst.idx.add.s32.msk vm0, v3  }
0x7f: {  	v2 =	vld [tilespmem:s14+$0xFFFFFFA0];
	_ =	sdelay $0x4  }
0x80: {  	v3 =	vshll.u32 v2, $0x3;
	v29 =	vshrl.u32 v2, $0xB;
	v30 =	vand.u32 $0x7F, v2  }
0x81: {  	v32 =	vand.u32 $0x7FF, v2;
	v2 =	vshrl.u32 v2, $0x4;
	v3 =	vand.u32 $0x1C00, v3  }
0x82: {  	v31 =	vsub.s32 v29, v0;
	vm8 =	vne.s32 v29, v32;
	v2 =	vand.u32 $0x380, v2  }
0x83: {  	v3 =	vor.u32 v30, v3;
	vm7 =	vlt.u32 v31, $0x40;
	v33 =	vshll.u32 v31, $0xA  }
0x84: {  	vm0 =	vmand vm8, vm7;
	v4 =	vand.u32 $0xFFFFE000, v33;
	v2 =	vor.u32 v2, v3  }
0x85: {  	v2 =	vor.u32 v4, v2;
	_ =	sdelay $0x2  }
0x86: {  	vm9 =	vgt.u32 v32, $0x3FF  }
0x87: {  	v3 =	vsel vm9, $0x10000, v1  }
0x88: {  	[tilespmem:v2+s3+$0x0] =	vst.idx.add.s32.msk vm0, v3  }
0x89: {  	v2 =	vld [tilespmem:s14+$0xFFFFFFB0];
	_ =	sdelay $0x4  }
0x8a: {  	v3 =	vshll.u32 v2, $0x3;
	v34 =	vshrl.u32 v2, $0xB;
	v35 =	vand.u32 $0x7F, v2  }
0x8b: {  	v37 =	vand.u32 $0x7FF, v2;
	v2 =	vshrl.u32 v2, $0x4;
	v3 =	vand.u32 $0x1C00, v3  }
0x8c: {  	v36 =	vsub.s32 v34, v0;
	vm11 =	vne.s32 v34, v37;
	v2 =	vand.u32 $0x380, v2  }
0x8d: {  	v3 =	vor.u32 v35, v3;
	vm10 =	vlt.u32 v36, $0x40;
	v38 =	vshll.u32 v36, $0xA  }
0x8e: {  	vm0 =	vmand vm11, vm10;
	v4 =	vand.u32 $0xFFFFE000, v38;
	v2 =	vor.u32 v2, v3  }
0x8f: {  	v2 =	vor.u32 v4, v2;
	_ =	sdelay $0x2  }
0x90: {  	vm12 =	vgt.u32 v37, $0x3FF  }
0x91: {  	v3 =	vsel vm12, $0x10000, v1  }
0x92: {  	[tilespmem:v2+s3+$0x0] =	vst.idx.add.s32.msk vm0, v3  }
0x93: {  	v2 =	vld [tilespmem:s14+$0xFFFFFFC0];
	_ =	sdelay $0x4  }
0x94: {  	v3 =	vshll.u32 v2, $0x3;
	v39 =	vshrl.u32 v2, $0xB;
	v40 =	vand.u32 $0x7F, v2  }
0x95: {  	v42 =	vand.u32 $0x7FF, v2;
	v2 =	vshrl.u32 v2, $0x4;
	v3 =	vand.u32 $0x1C00, v3  }
0x96: {  	v41 =	vsub.s32 v39, v0;
	vm14 =	vne.s32 v39, v42;
	v2 =	vand.u32 $0x380, v2  }
0x97: {  	v3 =	vor.u32 v40, v3;
	vm13 =	vlt.u32 v41, $0x40;
	v43 =	vshll.u32 v41, $0xA  }
0x98: {  	vm0 =	vmand vm14, vm13;
	v4 =	vand.u32 $0xFFFFE000, v43;
	v2 =	vor.u32 v2, v3  }
0x99: {  	v2 =	vor.u32 v4, v2;
	_ =	sdelay $0x2  }
0x9a: {  	vm15 =	vgt.u32 v42, $0x3FF  }
0x9b: {  	v3 =	vsel vm15, $0x10000, v1  }
0x9c: {  	[tilespmem:v2+s3+$0x0] =	vst.idx.add.s32.msk vm0, v3  }
0x9d: {  	v2 =	vld [tilespmem:s14+$0xFFFFFFD0];
	_ =	sdelay $0x4  }
0x9e: {  	v3 =	vshll.u32 v2, $0x3;
	v44 =	vshrl.u32 v2, $0xB;
	v45 =	vand.u32 $0x7F, v2  }
0x9f: {  	v47 =	vand.u32 $0x7FF, v2;
	v2 =	vshrl.u32 v2, $0x4;
	v3 =	vand.u32 $0x1C00, v3  }
0xa0: {  	v46 =	vsub.s32 v44, v0;
	vm5 =	vne.s32 v44, v47;
	v2 =	vand.u32 $0x380, v2  }
0xa1: {  	v3 =	vor.u32 v45, v3;
	vm4 =	vlt.u32 v46, $0x40;
	v48 =	vshll.u32 v46, $0xA  }
0xa2: {  	vm0 =	vmand vm5, vm4;
	v4 =	vand.u32 $0xFFFFE000, v48;
	v2 =	vor.u32 v2, v3  }
0xa3: {  	v2 =	vor.u32 v4, v2;
	_ =	sdelay $0x2  }
0xa4: {  	vm6 =	vgt.u32 v47, $0x3FF  }
0xa5: {  	v3 =	vsel vm6, $0x10000, v1  }
0xa6: {  	[tilespmem:v2+s3+$0x0] =	vst.idx.add.s32.msk vm0, v3  }
0xa7: {  	v2 =	vld [tilespmem:s14+$0xFFFFFFE0];
	_ =	sdelay $0x4  }
0xa8: {  	v3 =	vshll.u32 v2, $0x3;
	v49 =	vshrl.u32 v2, $0xB;
	v50 =	vand.u32 $0x7F, v2  }
0xa9: {  	v52 =	vand.u32 $0x7FF, v2;
	v2 =	vshrl.u32 v2, $0x4;
	v3 =	vand.u32 $0x1C00, v3  }
0xaa: {  	v51 =	vsub.s32 v49, v0;
	vm8 =	vne.s32 v49, v52;
	v2 =	vand.u32 $0x380, v2  }
0xab: {  	v3 =	vor.u32 v50, v3;
	vm7 =	vlt.u32 v51, $0x40;
	v53 =	vshll.u32 v51, $0xA  }
0xac: {  	vm0 =	vmand vm8, vm7;
	v4 =	vand.u32 $0xFFFFE000, v53;
	v2 =	vor.u32 v2, v3  }
0xad: {  	v2 =	vor.u32 v4, v2;
	_ =	sdelay $0x2  }
0xae: {  	vm9 =	vgt.u32 v52, $0x3FF  }
0xaf: {  	v3 =	vsel vm9, $0x10000, v1  }
0xb0: {  	[tilespmem:v2+s3+$0x0] =	vst.idx.add.s32.msk vm0, v3  }
0xb1: {  	v2 =	vld [tilespmem:s14+$0xFFFFFFF0];
	_ =	sdelay $0x4  }
0xb2: {  	v3 =	vshll.u32 v2, $0x3;
	v54 =	vshrl.u32 v2, $0xB;
	v55 =	vand.u32 $0x7F, v2  }
0xb3: {  	v57 =	vand.u32 $0x7FF, v2;
	v2 =	vshrl.u32 v2, $0x4;
	v3 =	vand.u32 $0x1C00, v3  }
0xb4: {  	v56 =	vsub.s32 v54, v0;
	vm11 =	vne.s32 v54, v57;
	v2 =	vand.u32 $0x380, v2  }
0xb5: {  	v3 =	vor.u32 v55, v3;
	vm10 =	vlt.u32 v56, $0x40;
	v58 =	vshll.u32 v56, $0xA  }
0xb6: {  	vm0 =	vmand vm11, vm10;
	v4 =	vand.u32 $0xFFFFE000, v58;
	v2 =	vor.u32 v2, v3  }
0xb7: {  	v2 =	vor.u32 v4, v2;
	_ =	sdelay $0x2  }
0xb8: {  	vm12 =	vgt.u32 v57, $0x3FF  }
0xb9: {  	v3 =	vsel vm12, $0x10000, v1  }
0xba: {  	[tilespmem:v2+s3+$0x0] =	vst.idx.add.s32.msk vm0, v3  }
0xbb: {  	v2 =	vld [tilespmem:s14+$0x0];
	_ =	sdelay $0x4  }
0xbc: {  	v3 =	vshll.u32 v2, $0x3;
	v59 =	vshrl.u32 v2, $0xB;
	v60 =	vand.u32 $0x7F, v2  }
0xbd: {  	v62 =	vand.u32 $0x7FF, v2;
	v2 =	vshrl.u32 v2, $0x4;
	v3 =	vand.u32 $0x1C00, v3  }
0xbe: {  	v61 =	vsub.s32 v59, v0;
	vm14 =	vne.s32 v59, v62;
	v2 =	vand.u32 $0x380, v2  }
0xbf: {  	v3 =	vor.u32 v60, v3;
	vm13 =	vlt.u32 v61, $0x40;
	v63 =	vshll.u32 v61, $0xA  }
0xc0: {  	s13 =	sadd.s32 $0x8, s13;
	vm0 =	vmand vm14, vm13;
	v4 =	vand.u32 $0xFFFFE000, v63;
	v2 =	vor.u32 v2, v3  }
0xc1: {  	p0 =	slt.u32 s13, $0x3F8;
	v2 =	vor.u32 v4, v2  }
.Ltmp3:
0xc2: {  	_ = 	snop;
	(pc) =	sbr.rel @p0 .LBB2_8-.Ltmp3, $4  }
0xc3: {  	_ = 	snop  }
0xc4: {  	vm15 =	vgt.u32 v62, $0x3FF  }
0xc5: {  	v3 =	vsel vm15, $0x10000, v1  }
0xc6: {  	s14 =	sadd.s32 $0x100, s14;
	[tilespmem:v2+s3+$0x0] =	vst.idx.add.s32.msk vm0, v3  }
0xc7: {  	s12 =	sadd.s32 $0x1, s12  }
0xc8: {  	p0 =	sne.s32 s12, s7  }
.Ltmp4:
0xc9: {  	_ = 	snop;
	(pc) =	sbr.rel @p0 .LBB2_1-.Ltmp4, $4  }
0xca: {  	[hbm4b:s6+s3] =	stream.linear.scatter [tilespmem:s3], [sflag:$0x4], $0x10000, $0x38;
	[tilespmem:$0x18000] =	vst v63  }
0xcb: {  	_ =	swait.ge [sflag:s11], $0x10000  }
0xcc: {  	[sflag:s11] =	ssyncset.done $0x0  }
0xcd: {  	[sflag:s11] =	ssyncadd.s32 $0xFFFF0000  }
0xce: {  	_ =	sfence.sel $0x180000  }
0xcf: {  	[bflag:$0x0] =	sbarrier.arrive $0xFFFF  }
0xd0: {  	p0 =	sne.s32 s1, $0x0;
	_ =	strace $0x90000047  }
0xd1: {  	s0 =	sadd.s32 @!p0 $0x100000, s0;
	[bflag:$0x2] =	sbarrier.arrive $0xFFFF  }
0xd2: {  	[sflag:s0] =	ssyncadd.tile.s32 @!p0 $0x1;
	_ =	shalt  }
.Lfunc_end2:
_tile_overlayer_lowered:
.L_overlay_start_2:
0xd3: {  	(tag) =	ssettag $0x2  }
0xd4: {  	s0 =	rddreg [dreg:$0x0];
	s2 =	stileid.u32  }
0xd5: {  	s1 =	rddreg [dreg:$0x1];
	p0 =	sne.s32 s2, $0x0  }
0xd6: {  	s3 =	rddreg [dreg:$0x2];
	[bflag:$0x3] =	sbarrier.arrive $0xFFFF;
	s2 =	simm.s32 @!p0 $0x1C04  }
0xd7: {  	[timem:s3], [sflag:s2] =	dma.local @!p0 [hbm:s0], s1  }
0xd8: {  	s0 =	simm.s32 @!p0 $0x4  }
0xd9: {  	_ =	swait.ge @!p0 [sflag:s0], s1  }
0xda: {  	s1 =	ssub.s32 @!p0 $0x0, s1;
	[sflag:s0] =	ssyncset.done @!p0 $0x0  }
0xdb: {  	[sflag:s0] =	ssyncadd.s32 @!p0 s1  }
0xdc: {  	[bflag:$0x3] =	sbarrier.arrive $0xFFFF  }
0xdd: {  	_ =	shalt  }

</sc_bundles>
